<compile_context>
chip_gen: v7x
topology: tpu7x:2x2x1
jax: 0.10.2.dev20260603
libtpu: 0.0.44.dev20260713+nightly
codegen_flags: <defaults>
</compile_context>

<pallas_src>
import functools

import jax
import jax.numpy as jnp
from jax import lax
from jax.experimental import pallas as pl
from jax.experimental.pallas import tpu as pltpu
from jax.experimental.pallas import tpu_sc as plsc

NC = 2
NS = 16
CHUNK = 128
LANES = 16
IDX_BLK = 16


def _sc_sums(x, idx2, zeros_init, zeros_deg, n_rows, n_chunks, d):
  rows_per_tile = n_rows // NS
  deg_rows = n_rows // 128
  mesh = plsc.VectorSubcoreMesh(
      core_axis_name="c", subcore_axis_name="s", num_cores=NC, num_subcores=NS)

  @functools.partial(
      pl.kernel,
      out_type=(jax.ShapeDtypeStruct((NC, n_rows, d), jnp.bfloat16),
                jax.ShapeDtypeStruct((NC, deg_rows, 128), jnp.float32)),
      mesh=mesh,
      compiler_params=pltpu.CompilerParams(use_tc_tiling_on_sc=False,
                                           needs_layout_passes=False),
      scratch_types=[
          pltpu.VMEM((3 * IDX_BLK, CHUNK), jnp.int32),
          pltpu.VMEM((3 * IDX_BLK, CHUNK), jnp.int32),
          pltpu.VMEM((3, CHUNK, d), jnp.bfloat16),
          pltpu.VMEM((deg_rows, 128), jnp.float32),
          pltpu.VMEM((deg_rows,), jnp.int32),
          pltpu.VMEM_SHARED((x.shape[0] + 16, d), jnp.bfloat16),
          pltpu.VMEM_SHARED((n_rows, d), jnp.bfloat16),
          pltpu.VMEM_SHARED((deg_rows, 128), jnp.float32),
          pltpu.SemaphoreType.DMA,
          pltpu.SemaphoreType.DMA,
          pltpu.SemaphoreType.DMA,
      ],
  )
  def agg(x_hbm, idx_hbm, z_hbm, zd_hbm, out_hbm, deg_hbm,
          g_v, s_v, rows_v, deg_h, deg_i, x_sh, acc, deg_acc,
          gsem, ssem, isem):
    c = lax.axis_index("c")
    s = lax.axis_index("s")
    r0 = s * rows_per_tile
    n_blocks = n_chunks // IDX_BLK
    n_x = x_hbm.shape[0]
    xs0 = s * (n_x // NS)
    pltpu.sync_copy(x_hbm.at[pl.ds(xs0, n_x // NS)],
                    x_sh.at[pl.ds(xs0, n_x // NS)])
    pltpu.sync_copy(z_hbm, acc.at[pl.ds(r0, rows_per_tile), :])
    pltpu.sync_copy(zd_hbm, deg_h)

    @pl.when(s == 0)
    def _():
      pltpu.sync_copy(zd_hbm, deg_acc)

    for k in range(deg_rows // LANES):
      deg_i[pl.ds(k * LANES, LANES)] = lax.iota(jnp.int32, LANES) + k * LANES

    def stage_idx(bi):
      slot = (bi % 3) * IDX_BLK
      src = pl.ds(bi * IDX_BLK, IDX_BLK)
      dstv = pl.ds(slot, IDX_BLK)
      pltpu.async_copy(idx_hbm.at[c, s, src], g_v.at[dstv], isem)
      pltpu.async_copy(idx_hbm.at[1 - c, s, src], s_v.at[dstv], isem)

    def wait_idx():
      pltpu.make_async_copy(idx_hbm.at[0, 0, pl.ds(0, IDX_BLK)],
                            g_v.at[pl.ds(0, IDX_BLK)], isem).wait()
      pltpu.make_async_copy(idx_hbm.at[0, 0, pl.ds(0, IDX_BLK)],
                            s_v.at[pl.ds(0, IDX_BLK)], isem).wait()

    def start_gather(j):
      pltpu.async_copy(x_sh.at[g_v.at[j % (3 * IDX_BLK)]],
                       rows_v.at[j % 3], gsem)

    def wait_gather():
      pltpu.make_async_copy(x_sh.at[g_v.at[0]], rows_v.at[0], gsem).wait()

    def start_scatter(j):
      pltpu.async_copy(rows_v.at[j % 3], acc.at[s_v.at[j % (3 * IDX_BLK)]],
                       ssem, add=True)

    def wait_scatter():
      pltpu.make_async_copy(rows_v.at[0], acc.at[s_v.at[0]], ssem).wait()

    stage_idx(0)
    wait_idx()
    plsc.subcore_barrier()
    start_gather(0)
    ones = jnp.ones((LANES,), jnp.float32)

    def body(j, carry):
      jmod = j % (3 * IDX_BLK)
      wait_gather()

      @pl.when(j > 1)
      def _():
        wait_scatter()

      @pl.when(jnp.logical_and(j % IDX_BLK == 0, j // IDX_BLK + 1 < n_blocks))
      def _():
        stage_idx(j // IDX_BLK + 1)

      @pl.when(j + 1 < n_chunks)
      def _():
        @pl.when((j + 1) % IDX_BLK == 0)
        def _():
          wait_idx()
        start_gather(j + 1)

      start_scatter(j)
      for k in range(CHUNK // LANES):
        v = s_v[jmod, pl.ds(k * LANES, LANES)]
        hi = lax.shift_right_logical(v, 7)
        lo = lax.bitwise_and(v, 127)
        plsc.addupdate_scatter(deg_h, [hi, lo], ones)
      return carry

    lax.fori_loop(0, n_chunks, body, 0)
    wait_scatter()
    wait_scatter()
    pltpu.sync_copy(deg_h, deg_acc.at[deg_i], add=True)
    plsc.subcore_barrier()
    pltpu.sync_copy(acc.at[pl.ds(r0, rows_per_tile), :],
                    out_hbm.at[c, pl.ds(r0, rows_per_tile), :])

    @pl.when(s == 0)
    def _():
      pltpu.sync_copy(deg_acc, deg_hbm.at[c])

  return agg(x, idx2, zeros_init, zeros_deg)


def _tc_combine(x, acc, deg, wt, b2, d_in, d_out):
  n = x.shape[0]
  blk = 1000
  grid = (n // blk,)

  def body(x_ref, ai_ref, ao_ref, di_ref, do_ref, w_ref, b_ref, o_ref):
    xb = x_ref[...]
    ri = 1.0 / jnp.maximum(di_ref[...], 1.0)
    ro = 1.0 / jnp.maximum(do_ref[...], 1.0)
    w = w_ref[...]
    o = (jnp.dot(xb, w[:d_in], preferred_element_type=jnp.float32)
         + ri * jnp.dot(ai_ref[0], w[d_in:2 * d_in],
                        preferred_element_type=jnp.float32)
         + ro * jnp.dot(ao_ref[0], w[2 * d_in:3 * d_in],
                        preferred_element_type=jnp.float32))
    o_ref[...] = jnp.maximum(o + b_ref[...], 0.0)

  nb = n // blk
  return pl.pallas_call(
      body,
      grid=grid,
      in_specs=[
          pl.BlockSpec((blk, d_in), lambda i: (i, 0)),
          pl.BlockSpec((1, blk, d_in), lambda i: (0, i, 0)),
          pl.BlockSpec((1, blk, d_in), lambda i: (1, i, 0)),
          pl.BlockSpec((blk, 1), lambda i: (i, 0)),
          pl.BlockSpec((blk, 1), lambda i: (nb + i, 0)),
          pl.BlockSpec((3 * d_in, d_out), lambda i: (0, 0)),
          pl.BlockSpec((1, d_out), lambda i: (0, 0)),
      ],
      out_specs=pl.BlockSpec((blk, d_out), lambda i: (i, 0)),
      out_shape=jax.ShapeDtypeStruct((n, d_out), jnp.float32),
  )(x, acc, acc, deg, deg, wt, b2)


def kernel(x, edge_index, W, b):
  n, d_in = x.shape
  d_out = W.shape[0]
  e = edge_index.shape[1]

  src = edge_index[0].astype(jnp.int32)
  dst = edge_index[1].astype(jnp.int32)

  chunks = -(-e // (NS * CHUNK))
  per_tile_chunks = -(-chunks // IDX_BLK) * IDX_BLK
  e_pad = per_tile_chunks * NS * CHUNK
  pad = e_pad - e
  g0 = jnp.pad(src, (0, pad), constant_values=n)
  g1 = jnp.pad(dst, (0, pad), constant_values=n)
  idx2 = jnp.stack([g0, g1]).reshape(NC, NS, per_tile_chunks, CHUNK)

  n_rows = -(-(n + 1) // (NS * 128)) * NS * 128
  deg_rows = n_rows // 128

  zeros_sums = jnp.zeros((n_rows // NS, d_in), jnp.bfloat16)
  zeros_deg = jnp.zeros((deg_rows, 128), jnp.float32)

  x_bf = x.astype(jnp.bfloat16)
  acc, deg = _sc_sums(x_bf, idx2, zeros_sums, zeros_deg, n_rows,
                      per_tile_chunks, d_in)
  deg2 = deg.reshape(NC, n_rows)[:, :n].reshape(NC * n, 1)

  wt = W.T.astype(jnp.bfloat16)
  b2 = b.reshape(1, d_out)
  return _tc_combine(x_bf, acc, deg2, wt, b2, d_in, d_out)

# --- scband reference (transcript-rebuilt; emitter-appended) ---
"""Pipeline reference for scband-sagemean3-19378892439727 (READ-ONLY COPY).

The authoritative reference and input builder live on the scoring server;
editing this copy changes nothing except your own understanding.
"""

import jax, jax.numpy as jnp
import numpy as np

N_NODES = 10000
N_EDGES = 320000
D_IN = 128
D_OUT = 128

def setup_inputs(seed: int = 0) -> dict:
    key = jax.random.key(seed)
    k1, k2, k3, k4 = jax.random.split(key, 4)
    x = jax.random.normal(k1, (N_NODES, D_IN), dtype=jnp.float32)
    edge_index = jax.random.randint(k2, (2, N_EDGES), 0, N_NODES, dtype=jnp.int64)
    # Linear(3*in_dim, out_dim) parameters (PyTorch convention: W[out, in])
    bound = 1.0 / np.sqrt(3 * D_IN)
    W = jax.random.uniform(k3, (D_OUT, 3 * D_IN), minval=-bound, maxval=bound, dtype=jnp.float32)
    b = jax.random.uniform(k4, (D_OUT,), minval=-bound, maxval=bound, dtype=jnp.float32)
    return {"x": x, "edge_index": edge_index, "W": W, "b": b}

def reference(x, edge_index, W, b):
    # SAGEMean3: concat([self, mean over in-neighbors, mean over out-neighbors]) -> Linear -> ReLU
    src = edge_index[0]
    dst = edge_index[1]
    n = x.shape[0]
    ones_e = jnp.ones((edge_index.shape[1],), dtype=x.dtype)
    # mean aggregation of source features onto destination nodes (in-neighbor mean)
    deg_in = jax.ops.segment_sum(ones_e, dst, num_segments=n)
    sum_in = jax.ops.segment_sum(x[src], dst, num_segments=n)
    mean_in = sum_in / jnp.clip(deg_in, 1.0, None)[:, None]
    # mean aggregation of destination features onto source nodes (out-neighbor mean)
    deg_out = jax.ops.segment_sum(ones_e, src, num_segments=n)
    sum_out = jax.ops.segment_sum(x[dst], src, num_segments=n)
    mean_out = sum_out / jnp.clip(deg_out, 1.0, None)[:, None]
    h = jnp.concatenate([x, mean_in, mean_out], axis=-1)
    out = h @ W.T + b
    return jax.nn.relu(out)

if __name__ == "__main__":
    import jax
    _d = setup_inputs()
    print(jax.jit(kernel)(*tuple(_d.values())))

</pallas_src>

<mosaic_0001>
#map = affine_map<(d0, d1) -> (0, 0)>
#map1 = affine_map<(d0, d1) -> (0, 0, 0, 0)>
#map2 = affine_map<(d0, d1) -> (0, 0, 0)>
module attributes {stable_mosaic.version = 14 : i64} {
  func.func @agg(%arg0: i32, %arg1: i32, %arg2: memref<10000x128xbf16, #tpu.memory_space<hbm>>, %arg3: memref<2x16x160x128xi32, #tpu.memory_space<hbm>>, %arg4: memref<640x128xbf16, #tpu.memory_space<hbm>>, %arg5: memref<80x128xf32, #tpu.memory_space<hbm>>, %arg6: memref<2x10240x128xbf16, #tpu.memory_space<hbm>>, %arg7: memref<2x80x128xf32, #tpu.memory_space<hbm>>, %arg8: memref<48x128xi32, #tpu.memory_space<vmem>>, %arg9: memref<48x128xi32, #tpu.memory_space<vmem>>, %arg10: memref<3x128x128xbf16, #tpu.memory_space<vmem>>, %arg11: memref<80x128xf32, #tpu.memory_space<vmem>>, %arg12: memref<80xi32, #tpu.memory_space<vmem>>, %arg13: memref<10016x128xbf16, #tpu.memory_space<vmem_shared>>, %arg14: memref<10240x128xbf16, #tpu.memory_space<vmem_shared>>, %arg15: memref<80x128xf32, #tpu.memory_space<vmem_shared>>, %arg16: memref<!tpu.dma_semaphore, #tpu.memory_space<semaphore_mem>>, %arg17: memref<!tpu.dma_semaphore, #tpu.memory_space<semaphore_mem>>, %arg18: memref<!tpu.dma_semaphore, #tpu.memory_space<semaphore_mem>>) attributes {dimension_semantics = [#tpu.dimension_semantics<core_parallel>, #tpu.dimension_semantics<subcore_parallel>], iteration_bounds = array<i64: 2, 16>, scalar_prefetch = 0 : i64, scratch_operands = 11 : i64, tpu.core_type = #tpu.core_type<sc_vector_subcore>, window_params = [{transform_indices = #map}, {transform_indices = #map1}, {transform_indices = #map}, {transform_indices = #map}, {transform_indices = #map2}, {transform_indices = #map2}]} {
    %mul3A = arith.constant 640 : i32
    %mul3A_0 = arith.muli %arg1, %mul3A : i32
    %mul3A_1 = arith.constant 625 : i32
    %mul3A_2 = arith.muli %arg1, %mul3A_1 : i32
    "tpu.region"() ({
      %run_scoped3A = tpu.sem_alloc : memref<!tpu.dma_semaphore, #tpu.memory_space<semaphore_mem>>
      %dma_start3A_139 = arith.constant 0 : i32
      %dma_start3A_140 = tpu.memref_slice %arg13[%mul3A_2, %dma_start3A_139] : memref<10016x128xbf16, #tpu.memory_space<vmem_shared>> -> memref<625x128xbf16, #tpu.memory_space<vmem_shared>>
      %dma_start3A_141 = arith.constant 0 : i32
      %dma_start3A_142 = tpu.memref_slice %arg2[%mul3A_2, %dma_start3A_141] : memref<10000x128xbf16, #tpu.memory_space<hbm>> -> memref<625x128xbf16, #tpu.memory_space<hbm>>
      tpu.enqueue_dma source(%dma_start3A_142 : memref<625x128xbf16, #tpu.memory_space<hbm>>) target(%dma_start3A_140 : memref<625x128xbf16, #tpu.memory_space<vmem_shared>>) target_semaphore(%run_scoped3A : memref<!tpu.dma_semaphore, #tpu.memory_space<semaphore_mem>>)
      %dma_wait3A_143 = arith.constant 0 : i32
      %dma_wait3A_144 = tpu.memref_slice %arg13[%mul3A_2, %dma_wait3A_143] : memref<10016x128xbf16, #tpu.memory_space<vmem_shared>> -> memref<625x128xbf16, #tpu.memory_space<vmem_shared>>
      %dma_wait3A_145 = arith.constant 0 : i32
      %dma_wait3A_146 = tpu.memref_slice %arg2[%mul3A_2, %dma_wait3A_145] : memref<10000x128xbf16, #tpu.memory_space<hbm>> -> memref<625x128xbf16, #tpu.memory_space<hbm>>
      tpu.wait_dma2 semaphore(%run_scoped3A : memref<!tpu.dma_semaphore, #tpu.memory_space<semaphore_mem>>) src(%dma_wait3A_146 : memref<625x128xbf16, #tpu.memory_space<hbm>>) dst(%dma_wait3A_144 : memref<625x128xbf16, #tpu.memory_space<vmem_shared>>)
      tpu.yield
    }) : () -> ()
    "tpu.region"() ({
      %run_scoped3A = tpu.sem_alloc : memref<!tpu.dma_semaphore, #tpu.memory_space<semaphore_mem>>
      %dma_start3A_139 = arith.constant 0 : i32
      %dma_start3A_140 = tpu.memref_slice %arg14[%mul3A_0, %dma_start3A_139] : memref<10240x128xbf16, #tpu.memory_space<vmem_shared>> -> memref<640x128xbf16, #tpu.memory_space<vmem_shared>>
      tpu.enqueue_dma source(%arg4 : memref<640x128xbf16, #tpu.memory_space<hbm>>) target(%dma_start3A_140 : memref<640x128xbf16, #tpu.memory_space<vmem_shared>>) target_semaphore(%run_scoped3A : memref<!tpu.dma_semaphore, #tpu.memory_space<semaphore_mem>>)
      %dma_wait3A_141 = arith.constant 0 : i32
      %dma_wait3A_142 = tpu.memref_slice %arg14[%mul3A_0, %dma_wait3A_141] : memref<10240x128xbf16, #tpu.memory_space<vmem_shared>> -> memref<640x128xbf16, #tpu.memory_space<vmem_shared>>
      tpu.wait_dma2 semaphore(%run_scoped3A : memref<!tpu.dma_semaphore, #tpu.memory_space<semaphore_mem>>) src(%arg4 : memref<640x128xbf16, #tpu.memory_space<hbm>>) dst(%dma_wait3A_142 : memref<640x128xbf16, #tpu.memory_space<vmem_shared>>)
      tpu.yield
    }) : () -> ()
    "tpu.region"() ({
      %run_scoped3A = tpu.sem_alloc : memref<!tpu.dma_semaphore, #tpu.memory_space<semaphore_mem>>
      tpu.enqueue_dma source(%arg5 : memref<80x128xf32, #tpu.memory_space<hbm>>) target(%arg11 : memref<80x128xf32, #tpu.memory_space<vmem>>) target_semaphore(%run_scoped3A : memref<!tpu.dma_semaphore, #tpu.memory_space<semaphore_mem>>)
      tpu.wait_dma2 semaphore(%run_scoped3A : memref<!tpu.dma_semaphore, #tpu.memory_space<semaphore_mem>>) src(%arg5 : memref<80x128xf32, #tpu.memory_space<hbm>>) dst(%arg11 : memref<80x128xf32, #tpu.memory_space<vmem>>)
      tpu.yield
    }) : () -> ()
    %eq3A = arith.constant 0 : i32
    %eq3A_3 = arith.cmpi eq, %arg1, %eq3A : i32
    %convert_element_type3A = arith.extui %eq3A_3 : i1 to i32
    %cond3A = arith.constant 0 : i32
    %cond3A_4 = arith.cmpi ne, %convert_element_type3A, %cond3A : i32
    scf.if %cond3A_4 {
      "tpu.region"() ({
        %run_scoped3A = tpu.sem_alloc : memref<!tpu.dma_semaphore, #tpu.memory_space<semaphore_mem>>
        tpu.enqueue_dma source(%arg5 : memref<80x128xf32, #tpu.memory_space<hbm>>) target(%arg15 : memref<80x128xf32, #tpu.memory_space<vmem_shared>>) target_semaphore(%run_scoped3A : memref<!tpu.dma_semaphore, #tpu.memory_space<semaphore_mem>>)
        tpu.wait_dma2 semaphore(%run_scoped3A : memref<!tpu.dma_semaphore, #tpu.memory_space<semaphore_mem>>) src(%arg5 : memref<80x128xf32, #tpu.memory_space<hbm>>) dst(%arg15 : memref<80x128xf32, #tpu.memory_space<vmem_shared>>)
        tpu.yield
      }) : () -> ()
    } else {
    }
    %iota3A = tpu.iota {dimensions = array<i32: 0>} : vector<16xi32>
    %add3A = arith.constant 0 : i32
    %add3A_5 = vector.broadcast %add3A : i32 to vector<16xi32>
    %add3A_6 = arith.addi %iota3A, %add3A_5 : vector<16xi32>
    %swap3A = arith.constant 0 : index
    %swap3A_7 = tpu.vector_load %arg12[%swap3A] {strides = array<i32>} : memref<80xi32, #tpu.memory_space<vmem>>, vector<16xi32>,
    tpu.vector_store %arg12[%swap3A], %add3A_6 {strides = array<i32>} : memref<80xi32, #tpu.memory_space<vmem>>, vector<16xi32>,
    %iota3A_8 = tpu.iota {dimensions = array<i32: 0>} : vector<16xi32>
    %add3A_9 = arith.constant 16 : i32
    %add3A_10 = vector.broadcast %add3A_9 : i32 to vector<16xi32>
    %add3A_11 = arith.addi %iota3A_8, %add3A_10 : vector<16xi32>
    %swap3A_12 = arith.constant 16 : index
    %swap3A_13 = tpu.vector_load %arg12[%swap3A_12] {strides = array<i32>} : memref<80xi32, #tpu.memory_space<vmem>>, vector<16xi32>,
    tpu.vector_store %arg12[%swap3A_12], %add3A_11 {strides = array<i32>} : memref<80xi32, #tpu.memory_space<vmem>>, vector<16xi32>,
    %iota3A_14 = tpu.iota {dimensions = array<i32: 0>} : vector<16xi32>
    %add3A_15 = arith.constant 32 : i32
    %add3A_16 = vector.broadcast %add3A_15 : i32 to vector<16xi32>
    %add3A_17 = arith.addi %iota3A_14, %add3A_16 : vector<16xi32>
    %swap3A_18 = arith.constant 32 : index
    %swap3A_19 = tpu.vector_load %arg12[%swap3A_18] {strides = array<i32>} : memref<80xi32, #tpu.memory_space<vmem>>, vector<16xi32>,
    tpu.vector_store %arg12[%swap3A_18], %add3A_17 {strides = array<i32>} : memref<80xi32, #tpu.memory_space<vmem>>, vector<16xi32>,
    %iota3A_20 = tpu.iota {dimensions = array<i32: 0>} : vector<16xi32>
    %add3A_21 = arith.constant 48 : i32
    %add3A_22 = vector.broadcast %add3A_21 : i32 to vector<16xi32>
    %add3A_23 = arith.addi %iota3A_20, %add3A_22 : vector<16xi32>
    %swap3A_24 = arith.constant 48 : index
    %swap3A_25 = tpu.vector_load %arg12[%swap3A_24] {strides = array<i32>} : memref<80xi32, #tpu.memory_space<vmem>>, vector<16xi32>,
    tpu.vector_store %arg12[%swap3A_24], %add3A_23 {strides = array<i32>} : memref<80xi32, #tpu.memory_space<vmem>>, vector<16xi32>,
    %iota3A_26 = tpu.iota {dimensions = array<i32: 0>} : vector<16xi32>
    %add3A_27 = arith.constant 64 : i32
    %add3A_28 = vector.broadcast %add3A_27 : i32 to vector<16xi32>
    %add3A_29 = arith.addi %iota3A_26, %add3A_28 : vector<16xi32>
    %swap3A_30 = arith.constant 64 : index
    %swap3A_31 = tpu.vector_load %arg12[%swap3A_30] {strides = array<i32>} : memref<80xi32, #tpu.memory_space<vmem>>, vector<16xi32>,
    tpu.vector_store %arg12[%swap3A_30], %add3A_29 {strides = array<i32>} : memref<80xi32, #tpu.memory_space<vmem>>, vector<16xi32>,
    %dma_start3A = arith.constant 0 : i32
    %dma_start3A_32 = arith.constant 0 : i32
    %dma_start3A_33 = tpu.memref_slice %arg8[%dma_start3A, %dma_start3A_32] : memref<48x128xi32, #tpu.memory_space<vmem>> -> memref<16x128xi32, #tpu.memory_space<vmem>>
    %dma_start3A_34 = arith.constant 0 : i32
    %dma_start3A_35 = arith.constant 0 : i32
    %dma_start3A_36 = tpu.memref_slice %arg3[%arg0, %arg1, %dma_start3A_34, %dma_start3A_35] : memref<2x16x160x128xi32, #tpu.memory_space<hbm>> -> memref<1x1x16x128xi32, #tpu.memory_space<hbm>>
    %dma_start3A_37 = tpu.memref_squeeze %dma_start3A_36 : memref<1x1x16x128xi32, #tpu.memory_space<hbm>> -> memref<16x128xi32, #tpu.memory_space<hbm>>
    %dma_start3A_38 = arith.constant 0 : i32
    %dma_start3A_39 = arith.constant 0 : i32
    %dma_start3A_40 = tpu.memref_slice %arg8[%dma_start3A_38, %dma_start3A_39] : memref<48x128xi32, #tpu.memory_space<vmem>> -> memref<16x128xi32, #tpu.memory_space<vmem>>
    %dma_start3A_41 = arith.constant 0 : i32
    %dma_start3A_42 = arith.constant 0 : i32
    %dma_start3A_43 = tpu.memref_slice %arg3[%arg0, %arg1, %dma_start3A_41, %dma_start3A_42] : memref<2x16x160x128xi32, #tpu.memory_space<hbm>> -> memref<1x1x16x128xi32, #tpu.memory_space<hbm>>
    %dma_start3A_44 = tpu.memref_squeeze %dma_start3A_43 : memref<1x1x16x128xi32, #tpu.memory_space<hbm>> -> memref<16x128xi32, #tpu.memory_space<hbm>>
    tpu.enqueue_dma source(%dma_start3A_44 : memref<16x128xi32, #tpu.memory_space<hbm>>) target(%dma_start3A_40 : memref<16x128xi32, #tpu.memory_space<vmem>>) target_semaphore(%arg18 : memref<!tpu.dma_semaphore, #tpu.memory_space<semaphore_mem>>)
    %sub3A = arith.constant 1 : i32
    %sub3A_45 = arith.subi %sub3A, %arg0 : i32
    %dma_start3A_46 = arith.constant 0 : i32
    %dma_start3A_47 = arith.constant 0 : i32
    %dma_start3A_48 = tpu.memref_slice %arg9[%dma_start3A_46, %dma_start3A_47] : memref<48x128xi32, #tpu.memory_space<vmem>> -> memref<16x128xi32, #tpu.memory_space<vmem>>
    %dma_start3A_49 = arith.constant 0 : i32
    %dma_start3A_50 = arith.constant 0 : i32
    %dma_start3A_51 = tpu.memref_slice %arg3[%sub3A_45, %arg1, %dma_start3A_49, %dma_start3A_50] : memref<2x16x160x128xi32, #tpu.memory_space<hbm>> -> memref<1x1x16x128xi32, #tpu.memory_space<hbm>>
    %dma_start3A_52 = tpu.memref_squeeze %dma_start3A_51 : memref<1x1x16x128xi32, #tpu.memory_space<hbm>> -> memref<16x128xi32, #tpu.memory_space<hbm>>
    %dma_start3A_53 = arith.constant 0 : i32
    %dma_start3A_54 = arith.constant 0 : i32
    %dma_start3A_55 = tpu.memref_slice %arg9[%dma_start3A_53, %dma_start3A_54] : memref<48x128xi32, #tpu.memory_space<vmem>> -> memref<16x128xi32, #tpu.memory_space<vmem>>
    %dma_start3A_56 = arith.constant 0 : i32
    %dma_start3A_57 = arith.constant 0 : i32
    %dma_start3A_58 = tpu.memref_slice %arg3[%sub3A_45, %arg1, %dma_start3A_56, %dma_start3A_57] : memref<2x16x160x128xi32, #tpu.memory_space<hbm>> -> memref<1x1x16x128xi32, #tpu.memory_space<hbm>>
    %dma_start3A_59 = tpu.memref_squeeze %dma_start3A_58 : memref<1x1x16x128xi32, #tpu.memory_space<hbm>> -> memref<16x128xi32, #tpu.memory_space<hbm>>
    tpu.enqueue_dma source(%dma_start3A_59 : memref<16x128xi32, #tpu.memory_space<hbm>>) target(%dma_start3A_55 : memref<16x128xi32, #tpu.memory_space<vmem>>) target_semaphore(%arg18 : memref<!tpu.dma_semaphore, #tpu.memory_space<semaphore_mem>>)
    %dma_wait3A = arith.constant 0 : i32
    %dma_wait3A_60 = arith.constant 0 : i32
    %dma_wait3A_61 = arith.constant 0 : i32
    %dma_wait3A_62 = arith.constant 0 : i32
    %dma_wait3A_63 = tpu.memref_slice %arg8[%dma_wait3A_61, %dma_wait3A_62] : memref<48x128xi32, #tpu.memory_space<vmem>> -> memref<16x128xi32, #tpu.memory_space<vmem>>
    %dma_wait3A_64 = arith.constant 0 : i32
    %dma_wait3A_65 = arith.constant 0 : i32
    %dma_wait3A_66 = tpu.memref_slice %arg3[%dma_wait3A, %dma_wait3A_60, %dma_wait3A_64, %dma_wait3A_65] : memref<2x16x160x128xi32, #tpu.memory_space<hbm>> -> memref<1x1x16x128xi32, #tpu.memory_space<hbm>>
    %dma_wait3A_67 = tpu.memref_squeeze %dma_wait3A_66 : memref<1x1x16x128xi32, #tpu.memory_space<hbm>> -> memref<16x128xi32, #tpu.memory_space<hbm>>
    %dma_wait3A_68 = arith.constant 0 : i32
    %dma_wait3A_69 = arith.constant 0 : i32
    %dma_wait3A_70 = tpu.memref_slice %arg8[%dma_wait3A_68, %dma_wait3A_69] : memref<48x128xi32, #tpu.memory_space<vmem>> -> memref<16x128xi32, #tpu.memory_space<vmem>>
    %dma_wait3A_71 = arith.constant 0 : i32
    %dma_wait3A_72 = arith.constant 0 : i32
    %dma_wait3A_73 = tpu.memref_slice %arg3[%dma_wait3A, %dma_wait3A_60, %dma_wait3A_71, %dma_wait3A_72] : memref<2x16x160x128xi32, #tpu.memory_space<hbm>> -> memref<1x1x16x128xi32, #tpu.memory_space<hbm>>
    %dma_wait3A_74 = tpu.memref_squeeze %dma_wait3A_73 : memref<1x1x16x128xi32, #tpu.memory_space<hbm>> -> memref<16x128xi32, #tpu.memory_space<hbm>>
    tpu.wait_dma2 semaphore(%arg18 : memref<!tpu.dma_semaphore, #tpu.memory_space<semaphore_mem>>) src(%dma_wait3A_74 : memref<16x128xi32, #tpu.memory_space<hbm>>) dst(%dma_wait3A_70 : memref<16x128xi32, #tpu.memory_space<vmem>>)
    %dma_wait3A_75 = arith.constant 0 : i32
    %dma_wait3A_76 = arith.constant 0 : i32
    %dma_wait3A_77 = arith.constant 0 : i32
    %dma_wait3A_78 = arith.constant 0 : i32
    %dma_wait3A_79 = tpu.memref_slice %arg9[%dma_wait3A_77, %dma_wait3A_78] : memref<48x128xi32, #tpu.memory_space<vmem>> -> memref<16x128xi32, #tpu.memory_space<vmem>>
    %dma_wait3A_80 = arith.constant 0 : i32
    %dma_wait3A_81 = arith.constant 0 : i32
    %dma_wait3A_82 = tpu.memref_slice %arg3[%dma_wait3A_75, %dma_wait3A_76, %dma_wait3A_80, %dma_wait3A_81] : memref<2x16x160x128xi32, #tpu.memory_space<hbm>> -> memref<1x1x16x128xi32, #tpu.memory_space<hbm>>
    %dma_wait3A_83 = tpu.memref_squeeze %dma_wait3A_82 : memref<1x1x16x128xi32, #tpu.memory_space<hbm>> -> memref<16x128xi32, #tpu.memory_space<hbm>>
    %dma_wait3A_84 = arith.constant 0 : i32
    %dma_wait3A_85 = arith.constant 0 : i32
    %dma_wait3A_86 = tpu.memref_slice %arg9[%dma_wait3A_84, %dma_wait3A_85] : memref<48x128xi32, #tpu.memory_space<vmem>> -> memref<16x128xi32, #tpu.memory_space<vmem>>
    %dma_wait3A_87 = arith.constant 0 : i32
    %dma_wait3A_88 = arith.constant 0 : i32
    %dma_wait3A_89 = tpu.memref_slice %arg3[%dma_wait3A_75, %dma_wait3A_76, %dma_wait3A_87, %dma_wait3A_88] : memref<2x16x160x128xi32, #tpu.memory_space<hbm>> -> memref<1x1x16x128xi32, #tpu.memory_space<hbm>>
    %dma_wait3A_90 = tpu.memref_squeeze %dma_wait3A_89 : memref<1x1x16x128xi32, #tpu.memory_space<hbm>> -> memref<16x128xi32, #tpu.memory_space<hbm>>
    tpu.wait_dma2 semaphore(%arg18 : memref<!tpu.dma_semaphore, #tpu.memory_space<semaphore_mem>>) src(%dma_wait3A_90 : memref<16x128xi32, #tpu.memory_space<hbm>>) dst(%dma_wait3A_86 : memref<16x128xi32, #tpu.memory_space<vmem>>)
    %barrier3A = arith.constant 0 : index
    tpu.barrier barrier_id(%barrier3A)
    %dma_start3A_91 = arith.constant 0 : i32
    %dma_start3A_92 = arith.constant 0 : i32
    %dma_start3A_93 = arith.constant 0 : i32
    %dma_start3A_94 = arith.constant 0 : i32
    %dma_start3A_95 = tpu.memref_slice %arg10[%dma_start3A_92, %dma_start3A_93, %dma_start3A_94] : memref<3x128x128xbf16, #tpu.memory_space<vmem>> -> memref<1x128x128xbf16, #tpu.memory_space<vmem>>
    %dma_start3A_96 = tpu.memref_squeeze %dma_start3A_95 : memref<1x128x128xbf16, #tpu.memory_space<vmem>> -> memref<128x128xbf16, #tpu.memory_space<vmem>>
    %dma_start3A_97 = arith.constant 0 : i32
    %dma_start3A_98 = tpu.memref_slice %arg8[%dma_start3A_91, %dma_start3A_97] : memref<48x128xi32, #tpu.memory_space<vmem>> -> memref<1x128xi32, #tpu.memory_space<vmem>>
    %dma_start3A_99 = tpu.memref_squeeze %dma_start3A_98 : memref<1x128xi32, #tpu.memory_space<vmem>> -> memref<128xi32, #tpu.memory_space<vmem>>
    %dma_start3A_100 = arith.constant 0 : i32
    %dma_start3A_101 = arith.constant 0 : i32
    %dma_start3A_102 = tpu.memref_slice %arg13[%dma_start3A_100, %dma_start3A_101] : memref<10016x128xbf16, #tpu.memory_space<vmem_shared>> -> memref<10016x128xbf16, #tpu.memory_space<vmem_shared>>
    tpu.enqueue_indirect_dma source(%dma_start3A_102 : memref<10016x128xbf16, #tpu.memory_space<vmem_shared>>) target(%dma_start3A_96 : memref<128x128xbf16, #tpu.memory_space<vmem>>) offsets(%dma_start3A_99 : memref<128xi32, #tpu.memory_space<vmem>>) semaphore(%arg16 : memref<!tpu.dma_semaphore, #tpu.memory_space<semaphore_mem>>)
    %broadcast_in_dim3A = arith.constant 1.000000e+00 : f32
    %broadcast_in_dim3A_103 = vector.broadcast %broadcast_in_dim3A : f32 to vector<16xf32>
    %scan3A = arith.constant 0 : i32
    %scan3A_104 = arith.constant 0 : i32
    %scan3A_105 = arith.constant 160 : i32
    %scan3A_106 = arith.addi %scan3A_104, %scan3A_105 : i32
    %scan3A_107 = arith.constant 1 : i32
    scf.for %scan3A_139 = %scan3A_104 to %scan3A_106 step %scan3A_107  : i32 {
      %jit3A = arith.constant 48 : i32
      %eq3A_140 = arith.constant 0 : i32
      %eq3A_141 = arith.cmpi eq, %jit3A, %eq3A_140 : i32
      %jit3A_142 = arith.constant 1 : i32
      %select_n3A = arith.select %eq3A_141, %jit3A_142, %jit3A : i32
      %rem3A = arith.remsi %scan3A_139, %select_n3A : i32
      %ne3A = arith.constant 0 : i32
      %ne3A_143 = arith.cmpi ne, %rem3A, %ne3A : i32
      %lt3A = arith.constant 0 : i32
      %lt3A_144 = arith.cmpi slt, %rem3A, %lt3A : i32
      %lt3A_145 = arith.constant 0 : i32
      %lt3A_146 = arith.cmpi slt, %select_n3A, %lt3A_145 : i32
      %ne3A_147 = arith.xori %lt3A_144, %lt3A_146 : i1
      %and3A = arith.andi %ne3A_147, %ne3A_143 : i1
      %add3A_148 = arith.addi %rem3A, %select_n3A : i32
      %select_n3A_149 = arith.select %and3A, %add3A_148, %rem3A : i32
      %dma_wait3A_150 = arith.constant 0 : i32
      %dma_wait3A_151 = arith.constant 0 : i32
      %dma_wait3A_152 = arith.constant 0 : i32
      %dma_wait3A_153 = arith.constant 0 : i32
      %dma_wait3A_154 = tpu.memref_slice %arg10[%dma_wait3A_151, %dma_wait3A_152, %dma_wait3A_153] : memref<3x128x128xbf16, #tpu.memory_space<vmem>> -> memref<1x128x128xbf16, #tpu.memory_space<vmem>>
      %dma_wait3A_155 = tpu.memref_squeeze %dma_wait3A_154 : memref<1x128x128xbf16, #tpu.memory_space<vmem>> -> memref<128x128xbf16, #tpu.memory_space<vmem>>
      %dma_wait3A_156 = arith.constant 0 : i32
      %dma_wait3A_157 = tpu.memref_slice %arg8[%dma_wait3A_150, %dma_wait3A_156] : memref<48x128xi32, #tpu.memory_space<vmem>> -> memref<1x128xi32, #tpu.memory_space<vmem>>
      %dma_wait3A_158 = tpu.memref_squeeze %dma_wait3A_157 : memref<1x128xi32, #tpu.memory_space<vmem>> -> memref<128xi32, #tpu.memory_space<vmem>>
      %dma_wait3A_159 = arith.constant 0 : i32
      %dma_wait3A_160 = arith.constant 0 : i32
      %dma_wait3A_161 = tpu.memref_slice %arg13[%dma_wait3A_159, %dma_wait3A_160] : memref<10016x128xbf16, #tpu.memory_space<vmem_shared>> -> memref<10016x128xbf16, #tpu.memory_space<vmem_shared>>
      tpu.wait_indirect_dma semaphore(%arg16 : memref<!tpu.dma_semaphore, #tpu.memory_space<semaphore_mem>>) src(%dma_wait3A_161 : memref<10016x128xbf16, #tpu.memory_space<vmem_shared>>) dst(%dma_wait3A_155 : memref<128x128xbf16, #tpu.memory_space<vmem>>)
      %gt3A = arith.constant 1 : i32
      %gt3A_162 = arith.cmpi sgt, %scan3A_139, %gt3A : i32
      %convert_element_type3A_163 = arith.extui %gt3A_162 : i1 to i32
      %cond3A_164 = arith.constant 0 : i32
      %cond3A_165 = arith.cmpi ne, %convert_element_type3A_163, %cond3A_164 : i32
      scf.if %cond3A_165 {
        %dma_wait3A_333 = arith.constant 0 : i32
        %dma_wait3A_334 = arith.constant 0 : i32
        %dma_wait3A_335 = arith.constant 0 : i32
        %dma_wait3A_336 = arith.constant 0 : i32
        %dma_wait3A_337 = tpu.memref_slice %arg10[%dma_wait3A_333, %dma_wait3A_335, %dma_wait3A_336] : memref<3x128x128xbf16, #tpu.memory_space<vmem>> -> memref<1x128x128xbf16, #tpu.memory_space<vmem>>
        %dma_wait3A_338 = tpu.memref_squeeze %dma_wait3A_337 : memref<1x128x128xbf16, #tpu.memory_space<vmem>> -> memref<128x128xbf16, #tpu.memory_space<vmem>>
        %dma_wait3A_339 = arith.constant 0 : i32
        %dma_wait3A_340 = tpu.memref_slice %arg9[%dma_wait3A_334, %dma_wait3A_339] : memref<48x128xi32, #tpu.memory_space<vmem>> -> memref<1x128xi32, #tpu.memory_space<vmem>>
        %dma_wait3A_341 = tpu.memref_squeeze %dma_wait3A_340 : memref<1x128xi32, #tpu.memory_space<vmem>> -> memref<128xi32, #tpu.memory_space<vmem>>
        %dma_wait3A_342 = arith.constant 0 : i32
        %dma_wait3A_343 = arith.constant 0 : i32
        %dma_wait3A_344 = tpu.memref_slice %arg14[%dma_wait3A_342, %dma_wait3A_343] : memref<10240x128xbf16, #tpu.memory_space<vmem_shared>> -> memref<10240x128xbf16, #tpu.memory_space<vmem_shared>>
        tpu.wait_indirect_dma semaphore(%arg17 : memref<!tpu.dma_semaphore, #tpu.memory_space<semaphore_mem>>) src(%dma_wait3A_338 : memref<128x128xbf16, #tpu.memory_space<vmem>>) dst(%dma_wait3A_344 : memref<10240x128xbf16, #tpu.memory_space<vmem_shared>>)
      } else {
      }
      %jit3A_166 = arith.constant 16 : i32
      %eq3A_167 = arith.constant 0 : i32
      %eq3A_168 = arith.cmpi eq, %jit3A_166, %eq3A_167 : i32
      %jit3A_169 = arith.constant 1 : i32
      %select_n3A_170 = arith.select %eq3A_168, %jit3A_169, %jit3A_166 : i32
      %rem3A_171 = arith.remsi %scan3A_139, %select_n3A_170 : i32
      %ne3A_172 = arith.constant 0 : i32
      %ne3A_173 = arith.cmpi ne, %rem3A_171, %ne3A_172 : i32
      %lt3A_174 = arith.constant 0 : i32
      %lt3A_175 = arith.cmpi slt, %rem3A_171, %lt3A_174 : i32
      %lt3A_176 = arith.constant 0 : i32
      %lt3A_177 = arith.cmpi slt, %select_n3A_170, %lt3A_176 : i32
      %ne3A_178 = arith.xori %lt3A_175, %lt3A_177 : i1
      %and3A_179 = arith.andi %ne3A_178, %ne3A_173 : i1
      %add3A_180 = arith.addi %rem3A_171, %select_n3A_170 : i32
      %select_n3A_181 = arith.select %and3A_179, %add3A_180, %rem3A_171 : i32
      %eq3A_182 = arith.constant 0 : i32
      %eq3A_183 = arith.cmpi eq, %select_n3A_181, %eq3A_182 : i32
      %jit3A_184 = arith.constant 16 : i32
      %div3A = arith.divsi %scan3A_139, %jit3A_184 : i32
      %sign3A = arith.constant 0 : i32
      %sign3A_185 = arith.cmpi sgt, %scan3A_139, %sign3A : i32
      %sign3A_186 = arith.extui %sign3A_185 : i1 to i32
      %sign3A_187 = arith.constant 0 : i32
      %sign3A_188 = arith.cmpi slt, %scan3A_139, %sign3A_187 : i32
      %sign3A_189 = arith.extui %sign3A_188 : i1 to i32
      %sign3A_190 = arith.subi %sign3A_186, %sign3A_189 : i32
      %sign3A_191 = arith.constant 0 : i32
      %sign3A_192 = arith.cmpi sgt, %jit3A_184, %sign3A_191 : i32
      %sign3A_193 = arith.extui %sign3A_192 : i1 to i32
      %sign3A_194 = arith.constant 0 : i32
      %sign3A_195 = arith.cmpi slt, %jit3A_184, %sign3A_194 : i32
      %sign3A_196 = arith.extui %sign3A_195 : i1 to i32
      %sign3A_197 = arith.subi %sign3A_193, %sign3A_196 : i32
      %ne3A_198 = arith.cmpi ne, %sign3A_190, %sign3A_197 : i32
      %rem3A_199 = arith.remsi %scan3A_139, %jit3A_184 : i32
      %ne3A_200 = arith.constant 0 : i32
      %ne3A_201 = arith.cmpi ne, %rem3A_199, %ne3A_200 : i32
      %and3A_202 = arith.andi %ne3A_198, %ne3A_201 : i1
      %sub3A_203 = arith.constant 1 : i32
      %sub3A_204 = arith.subi %div3A, %sub3A_203 : i32
      %select_n3A_205 = arith.select %and3A_202, %sub3A_204, %div3A : i32
      %add3A_206 = arith.constant 1 : i32
      %add3A_207 = arith.addi %select_n3A_205, %add3A_206 : i32
      %lt3A_208 = arith.constant 10 : i32
      %lt3A_209 = arith.cmpi slt, %add3A_207, %lt3A_208 : i32
      %and3A_210 = arith.andi %eq3A_183, %lt3A_209 : i1
      %convert_element_type3A_211 = arith.extui %and3A_210 : i1 to i32
      %cond3A_212 = arith.constant 0 : i32
      %cond3A_213 = arith.cmpi ne, %convert_element_type3A_211, %cond3A_212 : i32
      scf.if %cond3A_213 {
        %jit3A_333 = arith.constant 16 : i32
        %div3A_334 = arith.divsi %scan3A_139, %jit3A_333 : i32
        %sign3A_335 = arith.constant 0 : i32
        %sign3A_336 = arith.cmpi sgt, %scan3A_139, %sign3A_335 : i32
        %sign3A_337 = arith.extui %sign3A_336 : i1 to i32
        %sign3A_338 = arith.constant 0 : i32
        %sign3A_339 = arith.cmpi slt, %scan3A_139, %sign3A_338 : i32
        %sign3A_340 = arith.extui %sign3A_339 : i1 to i32
        %sign3A_341 = arith.subi %sign3A_337, %sign3A_340 : i32
        %sign3A_342 = arith.constant 0 : i32
        %sign3A_343 = arith.cmpi sgt, %jit3A_333, %sign3A_342 : i32
        %sign3A_344 = arith.extui %sign3A_343 : i1 to i32
        %sign3A_345 = arith.constant 0 : i32
        %sign3A_346 = arith.cmpi slt, %jit3A_333, %sign3A_345 : i32
        %sign3A_347 = arith.extui %sign3A_346 : i1 to i32
        %sign3A_348 = arith.subi %sign3A_344, %sign3A_347 : i32
        %ne3A_349 = arith.cmpi ne, %sign3A_341, %sign3A_348 : i32
        %rem3A_350 = arith.remsi %scan3A_139, %jit3A_333 : i32
        %ne3A_351 = arith.constant 0 : i32
        %ne3A_352 = arith.cmpi ne, %rem3A_350, %ne3A_351 : i32
        %and3A_353 = arith.andi %ne3A_349, %ne3A_352 : i1
        %sub3A_354 = arith.constant 1 : i32
        %sub3A_355 = arith.subi %div3A_334, %sub3A_354 : i32
        %select_n3A_356 = arith.select %and3A_353, %sub3A_355, %div3A_334 : i32
        %add3A_357 = arith.constant 1 : i32
        %add3A_358 = arith.addi %select_n3A_356, %add3A_357 : i32
        %jit3A_359 = arith.constant 3 : i32
        %eq3A_360 = arith.constant 0 : i32
        %eq3A_361 = arith.cmpi eq, %jit3A_359, %eq3A_360 : i32
        %jit3A_362 = arith.constant 1 : i32
        %select_n3A_363 = arith.select %eq3A_361, %jit3A_362, %jit3A_359 : i32
        %rem3A_364 = arith.remsi %add3A_358, %select_n3A_363 : i32
        %ne3A_365 = arith.constant 0 : i32
        %ne3A_366 = arith.cmpi ne, %rem3A_364, %ne3A_365 : i32
        %lt3A_367 = arith.constant 0 : i32
        %lt3A_368 = arith.cmpi slt, %rem3A_364, %lt3A_367 : i32
        %lt3A_369 = arith.constant 0 : i32
        %lt3A_370 = arith.cmpi slt, %select_n3A_363, %lt3A_369 : i32
        %ne3A_371 = arith.xori %lt3A_368, %lt3A_370 : i1
        %and3A_372 = arith.andi %ne3A_371, %ne3A_366 : i1
        %add3A_373 = arith.addi %rem3A_364, %select_n3A_363 : i32
        %select_n3A_374 = arith.select %and3A_372, %add3A_373, %rem3A_364 : i32
        %mul3A_375 = arith.constant 16 : i32
        %mul3A_376 = arith.muli %select_n3A_374, %mul3A_375 : i32
        %mul3A_377 = arith.constant 16 : i32
        %mul3A_378 = arith.muli %add3A_358, %mul3A_377 : i32
        %dma_start3A_379 = arith.constant 0 : i32
        %dma_start3A_380 = tpu.memref_slice %arg8[%mul3A_376, %dma_start3A_379] : memref<48x128xi32, #tpu.memory_space<vmem>> -> memref<16x128xi32, #tpu.memory_space<vmem>>
        %dma_start3A_381 = arith.constant 0 : i32
        %dma_start3A_382 = tpu.memref_slice %arg3[%arg0, %arg1, %mul3A_378, %dma_start3A_381] : memref<2x16x160x128xi32, #tpu.memory_space<hbm>> -> memref<1x1x16x128xi32, #tpu.memory_space<hbm>>
        %dma_start3A_383 = tpu.memref_squeeze %dma_start3A_382 : memref<1x1x16x128xi32, #tpu.memory_space<hbm>> -> memref<16x128xi32, #tpu.memory_space<hbm>>
        %dma_start3A_384 = arith.constant 0 : i32
        %dma_start3A_385 = tpu.memref_slice %arg8[%mul3A_376, %dma_start3A_384] : memref<48x128xi32, #tpu.memory_space<vmem>> -> memref<16x128xi32, #tpu.memory_space<vmem>>
        %dma_start3A_386 = arith.constant 0 : i32
        %dma_start3A_387 = tpu.memref_slice %arg3[%arg0, %arg1, %mul3A_378, %dma_start3A_386] : memref<2x16x160x128xi32, #tpu.memory_space<hbm>> -> memref<1x1x16x128xi32, #tpu.memory_space<hbm>>
        %dma_start3A_388 = tpu.memref_squeeze %dma_start3A_387 : memref<1x1x16x128xi32, #tpu.memory_space<hbm>> -> memref<16x128xi32, #tpu.memory_space<hbm>>
        tpu.enqueue_dma source(%dma_start3A_388 : memref<16x128xi32, #tpu.memory_space<hbm>>) target(%dma_start3A_385 : memref<16x128xi32, #tpu.memory_space<vmem>>) target_semaphore(%arg18 : memref<!tpu.dma_semaphore, #tpu.memory_space<semaphore_mem>>)
        %sub3A_389 = arith.constant 1 : i32
        %sub3A_390 = arith.subi %sub3A_389, %arg0 : i32
        %dma_start3A_391 = arith.constant 0 : i32
        %dma_start3A_392 = tpu.memref_slice %arg9[%mul3A_376, %dma_start3A_391] : memref<48x128xi32, #tpu.memory_space<vmem>> -> memref<16x128xi32, #tpu.memory_space<vmem>>
        %dma_start3A_393 = arith.constant 0 : i32
        %dma_start3A_394 = tpu.memref_slice %arg3[%sub3A_390, %arg1, %mul3A_378, %dma_start3A_393] : memref<2x16x160x128xi32, #tpu.memory_space<hbm>> -> memref<1x1x16x128xi32, #tpu.memory_space<hbm>>
        %dma_start3A_395 = tpu.memref_squeeze %dma_start3A_394 : memref<1x1x16x128xi32, #tpu.memory_space<hbm>> -> memref<16x128xi32, #tpu.memory_space<hbm>>
        %dma_start3A_396 = arith.constant 0 : i32
        %dma_start3A_397 = tpu.memref_slice %arg9[%mul3A_376, %dma_start3A_396] : memref<48x128xi32, #tpu.memory_space<vmem>> -> memref<16x128xi32, #tpu.memory_space<vmem>>
        %dma_start3A_398 = arith.constant 0 : i32
        %dma_start3A_399 = tpu.memref_slice %arg3[%sub3A_390, %arg1, %mul3A_378, %dma_start3A_398] : memref<2x16x160x128xi32, #tpu.memory_space<hbm>> -> memref<1x1x16x128xi32, #tpu.memory_space<hbm>>
        %dma_start3A_400 = tpu.memref_squeeze %dma_start3A_399 : memref<1x1x16x128xi32, #tpu.memory_space<hbm>> -> memref<16x128xi32, #tpu.memory_space<hbm>>
        tpu.enqueue_dma source(%dma_start3A_400 : memref<16x128xi32, #tpu.memory_space<hbm>>) target(%dma_start3A_397 : memref<16x128xi32, #tpu.memory_space<vmem>>) target_semaphore(%arg18 : memref<!tpu.dma_semaphore, #tpu.memory_space<semaphore_mem>>)
      } else {
      }
      %add3A_214 = arith.constant 1 : i32
      %add3A_215 = arith.addi %scan3A_139, %add3A_214 : i32
      %lt3A_216 = arith.constant 160 : i32
      %lt3A_217 = arith.cmpi slt, %add3A_215, %lt3A_216 : i32
      %convert_element_type3A_218 = arith.extui %lt3A_217 : i1 to i32
      %cond3A_219 = arith.constant 0 : i32
      %cond3A_220 = arith.cmpi ne, %convert_element_type3A_218, %cond3A_219 : i32
      scf.if %cond3A_220 {
        %add3A_333 = arith.constant 1 : i32
        %add3A_334 = arith.addi %scan3A_139, %add3A_333 : i32
        %jit3A_335 = arith.constant 16 : i32
        %eq3A_336 = arith.constant 0 : i32
        %eq3A_337 = arith.cmpi eq, %jit3A_335, %eq3A_336 : i32
        %jit3A_338 = arith.constant 1 : i32
        %select_n3A_339 = arith.select %eq3A_337, %jit3A_338, %jit3A_335 : i32
        %rem3A_340 = arith.remsi %add3A_334, %select_n3A_339 : i32
        %ne3A_341 = arith.constant 0 : i32
        %ne3A_342 = arith.cmpi ne, %rem3A_340, %ne3A_341 : i32
        %lt3A_343 = arith.constant 0 : i32
        %lt3A_344 = arith.cmpi slt, %rem3A_340, %lt3A_343 : i32
        %lt3A_345 = arith.constant 0 : i32
        %lt3A_346 = arith.cmpi slt, %select_n3A_339, %lt3A_345 : i32
        %ne3A_347 = arith.xori %lt3A_344, %lt3A_346 : i1
        %and3A_348 = arith.andi %ne3A_347, %ne3A_342 : i1
        %add3A_349 = arith.addi %rem3A_340, %select_n3A_339 : i32
        %select_n3A_350 = arith.select %and3A_348, %add3A_349, %rem3A_340 : i32
        %eq3A_351 = arith.constant 0 : i32
        %eq3A_352 = arith.cmpi eq, %select_n3A_350, %eq3A_351 : i32
        %convert_element_type3A_353 = arith.extui %eq3A_352 : i1 to i32
        %cond3A_354 = arith.constant 0 : i32
        %cond3A_355 = arith.cmpi ne, %convert_element_type3A_353, %cond3A_354 : i32
        scf.if %cond3A_355 {
          %dma_wait3A_400 = arith.constant 0 : i32
          %dma_wait3A_401 = arith.constant 0 : i32
          %dma_wait3A_402 = arith.constant 0 : i32
          %dma_wait3A_403 = arith.constant 0 : i32
          %dma_wait3A_404 = tpu.memref_slice %arg8[%dma_wait3A_402, %dma_wait3A_403] : memref<48x128xi32, #tpu.memory_space<vmem>> -> memref<16x128xi32, #tpu.memory_space<vmem>>
          %dma_wait3A_405 = arith.constant 0 : i32
          %dma_wait3A_406 = arith.constant 0 : i32
          %dma_wait3A_407 = tpu.memref_slice %arg3[%dma_wait3A_400, %dma_wait3A_401, %dma_wait3A_405, %dma_wait3A_406] : memref<2x16x160x128xi32, #tpu.memory_space<hbm>> -> memref<1x1x16x128xi32, #tpu.memory_space<hbm>>
          %dma_wait3A_408 = tpu.memref_squeeze %dma_wait3A_407 : memref<1x1x16x128xi32, #tpu.memory_space<hbm>> -> memref<16x128xi32, #tpu.memory_space<hbm>>
          %dma_wait3A_409 = arith.constant 0 : i32
          %dma_wait3A_410 = arith.constant 0 : i32
          %dma_wait3A_411 = tpu.memref_slice %arg8[%dma_wait3A_409, %dma_wait3A_410] : memref<48x128xi32, #tpu.memory_space<vmem>> -> memref<16x128xi32, #tpu.memory_space<vmem>>
          %dma_wait3A_412 = arith.constant 0 : i32
          %dma_wait3A_413 = arith.constant 0 : i32
          %dma_wait3A_414 = tpu.memref_slice %arg3[%dma_wait3A_400, %dma_wait3A_401, %dma_wait3A_412, %dma_wait3A_413] : memref<2x16x160x128xi32, #tpu.memory_space<hbm>> -> memref<1x1x16x128xi32, #tpu.memory_space<hbm>>
          %dma_wait3A_415 = tpu.memref_squeeze %dma_wait3A_414 : memref<1x1x16x128xi32, #tpu.memory_space<hbm>> -> memref<16x128xi32, #tpu.memory_space<hbm>>
          tpu.wait_dma2 semaphore(%arg18 : memref<!tpu.dma_semaphore, #tpu.memory_space<semaphore_mem>>) src(%dma_wait3A_415 : memref<16x128xi32, #tpu.memory_space<hbm>>) dst(%dma_wait3A_411 : memref<16x128xi32, #tpu.memory_space<vmem>>)
          %dma_wait3A_416 = arith.constant 0 : i32
          %dma_wait3A_417 = arith.constant 0 : i32
          %dma_wait3A_418 = arith.constant 0 : i32
          %dma_wait3A_419 = arith.constant 0 : i32
          %dma_wait3A_420 = tpu.memref_slice %arg9[%dma_wait3A_418, %dma_wait3A_419] : memref<48x128xi32, #tpu.memory_space<vmem>> -> memref<16x128xi32, #tpu.memory_space<vmem>>
          %dma_wait3A_421 = arith.constant 0 : i32
          %dma_wait3A_422 = arith.constant 0 : i32
          %dma_wait3A_423 = tpu.memref_slice %arg3[%dma_wait3A_416, %dma_wait3A_417, %dma_wait3A_421, %dma_wait3A_422] : memref<2x16x160x128xi32, #tpu.memory_space<hbm>> -> memref<1x1x16x128xi32, #tpu.memory_space<hbm>>
          %dma_wait3A_424 = tpu.memref_squeeze %dma_wait3A_423 : memref<1x1x16x128xi32, #tpu.memory_space<hbm>> -> memref<16x128xi32, #tpu.memory_space<hbm>>
          %dma_wait3A_425 = arith.constant 0 : i32
          %dma_wait3A_426 = arith.constant 0 : i32
          %dma_wait3A_427 = tpu.memref_slice %arg9[%dma_wait3A_425, %dma_wait3A_426] : memref<48x128xi32, #tpu.memory_space<vmem>> -> memref<16x128xi32, #tpu.memory_space<vmem>>
          %dma_wait3A_428 = arith.constant 0 : i32
          %dma_wait3A_429 = arith.constant 0 : i32
          %dma_wait3A_430 = tpu.memref_slice %arg3[%dma_wait3A_416, %dma_wait3A_417, %dma_wait3A_428, %dma_wait3A_429] : memref<2x16x160x128xi32, #tpu.memory_space<hbm>> -> memref<1x1x16x128xi32, #tpu.memory_space<hbm>>
          %dma_wait3A_431 = tpu.memref_squeeze %dma_wait3A_430 : memref<1x1x16x128xi32, #tpu.memory_space<hbm>> -> memref<16x128xi32, #tpu.memory_space<hbm>>
          tpu.wait_dma2 semaphore(%arg18 : memref<!tpu.dma_semaphore, #tpu.memory_space<semaphore_mem>>) src(%dma_wait3A_431 : memref<16x128xi32, #tpu.memory_space<hbm>>) dst(%dma_wait3A_427 : memref<16x128xi32, #tpu.memory_space<vmem>>)
        } else {
        }
        %add3A_356 = arith.constant 1 : i32
        %add3A_357 = arith.addi %scan3A_139, %add3A_356 : i32
        %jit3A_358 = arith.constant 48 : i32
        %eq3A_359 = arith.constant 0 : i32
        %eq3A_360 = arith.cmpi eq, %jit3A_358, %eq3A_359 : i32
        %jit3A_361 = arith.constant 1 : i32
        %select_n3A_362 = arith.select %eq3A_360, %jit3A_361, %jit3A_358 : i32
        %rem3A_363 = arith.remsi %add3A_357, %select_n3A_362 : i32
        %ne3A_364 = arith.constant 0 : i32
        %ne3A_365 = arith.cmpi ne, %rem3A_363, %ne3A_364 : i32
        %lt3A_366 = arith.constant 0 : i32
        %lt3A_367 = arith.cmpi slt, %rem3A_363, %lt3A_366 : i32
        %lt3A_368 = arith.constant 0 : i32
        %lt3A_369 = arith.cmpi slt, %select_n3A_362, %lt3A_368 : i32
        %ne3A_370 = arith.xori %lt3A_367, %lt3A_369 : i1
        %and3A_371 = arith.andi %ne3A_370, %ne3A_365 : i1
        %add3A_372 = arith.addi %rem3A_363, %select_n3A_362 : i32
        %select_n3A_373 = arith.select %and3A_371, %add3A_372, %rem3A_363 : i32
        %jit3A_374 = arith.constant 3 : i32
        %eq3A_375 = arith.constant 0 : i32
        %eq3A_376 = arith.cmpi eq, %jit3A_374, %eq3A_375 : i32
        %jit3A_377 = arith.constant 1 : i32
        %select_n3A_378 = arith.select %eq3A_376, %jit3A_377, %jit3A_374 : i32
        %rem3A_379 = arith.remsi %add3A_357, %select_n3A_378 : i32
        %ne3A_380 = arith.constant 0 : i32
        %ne3A_381 = arith.cmpi ne, %rem3A_379, %ne3A_380 : i32
        %lt3A_382 = arith.constant 0 : i32
        %lt3A_383 = arith.cmpi slt, %rem3A_379, %lt3A_382 : i32
        %lt3A_384 = arith.constant 0 : i32
        %lt3A_385 = arith.cmpi slt, %select_n3A_378, %lt3A_384 : i32
        %ne3A_386 = arith.xori %lt3A_383, %lt3A_385 : i1
        %and3A_387 = arith.andi %ne3A_386, %ne3A_381 : i1
        %add3A_388 = arith.addi %rem3A_379, %select_n3A_378 : i32
        %select_n3A_389 = arith.select %and3A_387, %add3A_388, %rem3A_379 : i32
        %dma_start3A_390 = arith.constant 0 : i32
        %dma_start3A_391 = arith.constant 0 : i32
        %dma_start3A_392 = tpu.memref_slice %arg10[%select_n3A_389, %dma_start3A_390, %dma_start3A_391] : memref<3x128x128xbf16, #tpu.memory_space<vmem>> -> memref<1x128x128xbf16, #tpu.memory_space<vmem>>
        %dma_start3A_393 = tpu.memref_squeeze %dma_start3A_392 : memref<1x128x128xbf16, #tpu.memory_space<vmem>> -> memref<128x128xbf16, #tpu.memory_space<vmem>>
        %dma_start3A_394 = arith.constant 0 : i32
        %dma_start3A_395 = tpu.memref_slice %arg8[%select_n3A_373, %dma_start3A_394] : memref<48x128xi32, #tpu.memory_space<vmem>> -> memref<1x128xi32, #tpu.memory_space<vmem>>
        %dma_start3A_396 = tpu.memref_squeeze %dma_start3A_395 : memref<1x128xi32, #tpu.memory_space<vmem>> -> memref<128xi32, #tpu.memory_space<vmem>>
        %dma_start3A_397 = arith.constant 0 : i32
        %dma_start3A_398 = arith.constant 0 : i32
        %dma_start3A_399 = tpu.memref_slice %arg13[%dma_start3A_397, %dma_start3A_398] : memref<10016x128xbf16, #tpu.memory_space<vmem_shared>> -> memref<10016x128xbf16, #tpu.memory_space<vmem_shared>>
        tpu.enqueue_indirect_dma source(%dma_start3A_399 : memref<10016x128xbf16, #tpu.memory_space<vmem_shared>>) target(%dma_start3A_393 : memref<128x128xbf16, #tpu.memory_space<vmem>>) offsets(%dma_start3A_396 : memref<128xi32, #tpu.memory_space<vmem>>) semaphore(%arg16 : memref<!tpu.dma_semaphore, #tpu.memory_space<semaphore_mem>>)
      } else {
      }
      %jit3A_221 = arith.constant 3 : i32
      %eq3A_222 = arith.constant 0 : i32
      %eq3A_223 = arith.cmpi eq, %jit3A_221, %eq3A_222 : i32
      %jit3A_224 = arith.constant 1 : i32
      %select_n3A_225 = arith.select %eq3A_223, %jit3A_224, %jit3A_221 : i32
      %rem3A_226 = arith.remsi %scan3A_139, %select_n3A_225 : i32
      %ne3A_227 = arith.constant 0 : i32
      %ne3A_228 = arith.cmpi ne, %rem3A_226, %ne3A_227 : i32
      %lt3A_229 = arith.constant 0 : i32
      %lt3A_230 = arith.cmpi slt, %rem3A_226, %lt3A_229 : i32
      %lt3A_231 = arith.constant 0 : i32
      %lt3A_232 = arith.cmpi slt, %select_n3A_225, %lt3A_231 : i32
      %ne3A_233 = arith.xori %lt3A_230, %lt3A_232 : i1
      %and3A_234 = arith.andi %ne3A_233, %ne3A_228 : i1
      %add3A_235 = arith.addi %rem3A_226, %select_n3A_225 : i32
      %select_n3A_236 = arith.select %and3A_234, %add3A_235, %rem3A_226 : i32
      %jit3A_237 = arith.constant 48 : i32
      %eq3A_238 = arith.constant 0 : i32
      %eq3A_239 = arith.cmpi eq, %jit3A_237, %eq3A_238 : i32
      %jit3A_240 = arith.constant 1 : i32
      %select_n3A_241 = arith.select %eq3A_239, %jit3A_240, %jit3A_237 : i32
      %rem3A_242 = arith.remsi %scan3A_139, %select_n3A_241 : i32
      %ne3A_243 = arith.constant 0 : i32
      %ne3A_244 = arith.cmpi ne, %rem3A_242, %ne3A_243 : i32
      %lt3A_245 = arith.constant 0 : i32
      %lt3A_246 = arith.cmpi slt, %rem3A_242, %lt3A_245 : i32
      %lt3A_247 = arith.constant 0 : i32
      %lt3A_248 = arith.cmpi slt, %select_n3A_241, %lt3A_247 : i32
      %ne3A_249 = arith.xori %lt3A_246, %lt3A_248 : i1
      %and3A_250 = arith.andi %ne3A_249, %ne3A_244 : i1
      %add3A_251 = arith.addi %rem3A_242, %select_n3A_241 : i32
      %select_n3A_252 = arith.select %and3A_250, %add3A_251, %rem3A_242 : i32
      %dma_start3A_253 = arith.constant 0 : i32
      %dma_start3A_254 = arith.constant 0 : i32
      %dma_start3A_255 = tpu.memref_slice %arg10[%select_n3A_236, %dma_start3A_253, %dma_start3A_254] : memref<3x128x128xbf16, #tpu.memory_space<vmem>> -> memref<1x128x128xbf16, #tpu.memory_space<vmem>>
      %dma_start3A_256 = tpu.memref_squeeze %dma_start3A_255 : memref<1x128x128xbf16, #tpu.memory_space<vmem>> -> memref<128x128xbf16, #tpu.memory_space<vmem>>
      %dma_start3A_257 = arith.constant 0 : i32
      %dma_start3A_258 = tpu.memref_slice %arg9[%select_n3A_252, %dma_start3A_257] : memref<48x128xi32, #tpu.memory_space<vmem>> -> memref<1x128xi32, #tpu.memory_space<vmem>>
      %dma_start3A_259 = tpu.memref_squeeze %dma_start3A_258 : memref<1x128xi32, #tpu.memory_space<vmem>> -> memref<128xi32, #tpu.memory_space<vmem>>
      %dma_start3A_260 = arith.constant 0 : i32
      %dma_start3A_261 = arith.constant 0 : i32
      %dma_start3A_262 = tpu.memref_slice %arg14[%dma_start3A_260, %dma_start3A_261] : memref<10240x128xbf16, #tpu.memory_space<vmem_shared>> -> memref<10240x128xbf16, #tpu.memory_space<vmem_shared>>
      tpu.enqueue_indirect_dma source(%dma_start3A_256 : memref<128x128xbf16, #tpu.memory_space<vmem>>) target(%dma_start3A_262 : memref<10240x128xbf16, #tpu.memory_space<vmem_shared>>) offsets(%dma_start3A_259 : memref<128xi32, #tpu.memory_space<vmem>>) semaphore(%arg17 : memref<!tpu.dma_semaphore, #tpu.memory_space<semaphore_mem>>) {add = true}
      %get3A = arith.index_cast %select_n3A_149 : i32 to index
      %get3A_263 = arith.constant 0 : index
      %get3A_264 = tpu.vector_load %arg9[%get3A, %get3A_263] {strides = array<i32>} : memref<48x128xi32, #tpu.memory_space<vmem>>, vector<16xi32>,
      %shift_right_logical3A = arith.constant 7 : i32
      %shift_right_logical3A_265 = vector.broadcast %shift_right_logical3A : i32 to vector<16xi32>
      %shift_right_logical3A_266 = arith.shrui %get3A_264, %shift_right_logical3A_265 : vector<16xi32>
      %and3A_267 = arith.constant 127 : i32
      %and3A_268 = vector.broadcast %and3A_267 : i32 to vector<16xi32>
      %and3A_269 = arith.andi %get3A_264, %and3A_268 : vector<16xi32>
      tpu.vector_store_idx %arg11[%shift_right_logical3A_266, %and3A_269], %broadcast_in_dim3A_103 {add = true} : memref<80x128xf32, #tpu.memory_space<vmem>>[vector<16xi32>, vector<16xi32>], vector<16xf32>,
      %get3A_270 = arith.index_cast %select_n3A_149 : i32 to index
      %get3A_271 = arith.constant 16 : index
      %get3A_272 = tpu.vector_load %arg9[%get3A_270, %get3A_271] {strides = array<i32>} : memref<48x128xi32, #tpu.memory_space<vmem>>, vector<16xi32>,
      %shift_right_logical3A_273 = arith.constant 7 : i32
      %shift_right_logical3A_274 = vector.broadcast %shift_right_logical3A_273 : i32 to vector<16xi32>
      %shift_right_logical3A_275 = arith.shrui %get3A_272, %shift_right_logical3A_274 : vector<16xi32>
      %and3A_276 = arith.constant 127 : i32
      %and3A_277 = vector.broadcast %and3A_276 : i32 to vector<16xi32>
      %and3A_278 = arith.andi %get3A_272, %and3A_277 : vector<16xi32>
      tpu.vector_store_idx %arg11[%shift_right_logical3A_275, %and3A_278], %broadcast_in_dim3A_103 {add = true} : memref<80x128xf32, #tpu.memory_space<vmem>>[vector<16xi32>, vector<16xi32>], vector<16xf32>,
      %get3A_279 = arith.index_cast %select_n3A_149 : i32 to index
      %get3A_280 = arith.constant 32 : index
      %get3A_281 = tpu.vector_load %arg9[%get3A_279, %get3A_280] {strides = array<i32>} : memref<48x128xi32, #tpu.memory_space<vmem>>, vector<16xi32>,
      %shift_right_logical3A_282 = arith.constant 7 : i32
      %shift_right_logical3A_283 = vector.broadcast %shift_right_logical3A_282 : i32 to vector<16xi32>
      %shift_right_logical3A_284 = arith.shrui %get3A_281, %shift_right_logical3A_283 : vector<16xi32>
      %and3A_285 = arith.constant 127 : i32
      %and3A_286 = vector.broadcast %and3A_285 : i32 to vector<16xi32>
      %and3A_287 = arith.andi %get3A_281, %and3A_286 : vector<16xi32>
      tpu.vector_store_idx %arg11[%shift_right_logical3A_284, %and3A_287], %broadcast_in_dim3A_103 {add = true} : memref<80x128xf32, #tpu.memory_space<vmem>>[vector<16xi32>, vector<16xi32>], vector<16xf32>,
      %get3A_288 = arith.index_cast %select_n3A_149 : i32 to index
      %get3A_289 = arith.constant 48 : index
      %get3A_290 = tpu.vector_load %arg9[%get3A_288, %get3A_289] {strides = array<i32>} : memref<48x128xi32, #tpu.memory_space<vmem>>, vector<16xi32>,
      %shift_right_logical3A_291 = arith.constant 7 : i32
      %shift_right_logical3A_292 = vector.broadcast %shift_right_logical3A_291 : i32 to vector<16xi32>
      %shift_right_logical3A_293 = arith.shrui %get3A_290, %shift_right_logical3A_292 : vector<16xi32>
      %and3A_294 = arith.constant 127 : i32
      %and3A_295 = vector.broadcast %and3A_294 : i32 to vector<16xi32>
      %and3A_296 = arith.andi %get3A_290, %and3A_295 : vector<16xi32>
      tpu.vector_store_idx %arg11[%shift_right_logical3A_293, %and3A_296], %broadcast_in_dim3A_103 {add = true} : memref<80x128xf32, #tpu.memory_space<vmem>>[vector<16xi32>, vector<16xi32>], vector<16xf32>,
      %get3A_297 = arith.index_cast %select_n3A_149 : i32 to index
      %get3A_298 = arith.constant 64 : index
      %get3A_299 = tpu.vector_load %arg9[%get3A_297, %get3A_298] {strides = array<i32>} : memref<48x128xi32, #tpu.memory_space<vmem>>, vector<16xi32>,
      %shift_right_logical3A_300 = arith.constant 7 : i32
      %shift_right_logical3A_301 = vector.broadcast %shift_right_logical3A_300 : i32 to vector<16xi32>
      %shift_right_logical3A_302 = arith.shrui %get3A_299, %shift_right_logical3A_301 : vector<16xi32>
      %and3A_303 = arith.constant 127 : i32
      %and3A_304 = vector.broadcast %and3A_303 : i32 to vector<16xi32>
      %and3A_305 = arith.andi %get3A_299, %and3A_304 : vector<16xi32>
      tpu.vector_store_idx %arg11[%shift_right_logical3A_302, %and3A_305], %broadcast_in_dim3A_103 {add = true} : memref<80x128xf32, #tpu.memory_space<vmem>>[vector<16xi32>, vector<16xi32>], vector<16xf32>,
      %get3A_306 = arith.index_cast %select_n3A_149 : i32 to index
      %get3A_307 = arith.constant 80 : index
      %get3A_308 = tpu.vector_load %arg9[%get3A_306, %get3A_307] {strides = array<i32>} : memref<48x128xi32, #tpu.memory_space<vmem>>, vector<16xi32>,
      %shift_right_logical3A_309 = arith.constant 7 : i32
      %shift_right_logical3A_310 = vector.broadcast %shift_right_logical3A_309 : i32 to vector<16xi32>
      %shift_right_logical3A_311 = arith.shrui %get3A_308, %shift_right_logical3A_310 : vector<16xi32>
      %and3A_312 = arith.constant 127 : i32
      %and3A_313 = vector.broadcast %and3A_312 : i32 to vector<16xi32>
      %and3A_314 = arith.andi %get3A_308, %and3A_313 : vector<16xi32>
      tpu.vector_store_idx %arg11[%shift_right_logical3A_311, %and3A_314], %broadcast_in_dim3A_103 {add = true} : memref<80x128xf32, #tpu.memory_space<vmem>>[vector<16xi32>, vector<16xi32>], vector<16xf32>,
      %get3A_315 = arith.index_cast %select_n3A_149 : i32 to index
      %get3A_316 = arith.constant 96 : index
      %get3A_317 = tpu.vector_load %arg9[%get3A_315, %get3A_316] {strides = array<i32>} : memref<48x128xi32, #tpu.memory_space<vmem>>, vector<16xi32>,
      %shift_right_logical3A_318 = arith.constant 7 : i32
      %shift_right_logical3A_319 = vector.broadcast %shift_right_logical3A_318 : i32 to vector<16xi32>
      %shift_right_logical3A_320 = arith.shrui %get3A_317, %shift_right_logical3A_319 : vector<16xi32>
      %and3A_321 = arith.constant 127 : i32
      %and3A_322 = vector.broadcast %and3A_321 : i32 to vector<16xi32>
      %and3A_323 = arith.andi %get3A_317, %and3A_322 : vector<16xi32>
      tpu.vector_store_idx %arg11[%shift_right_logical3A_320, %and3A_323], %broadcast_in_dim3A_103 {add = true} : memref<80x128xf32, #tpu.memory_space<vmem>>[vector<16xi32>, vector<16xi32>], vector<16xf32>,
      %get3A_324 = arith.index_cast %select_n3A_149 : i32 to index
      %get3A_325 = arith.constant 112 : index
      %get3A_326 = tpu.vector_load %arg9[%get3A_324, %get3A_325] {strides = array<i32>} : memref<48x128xi32, #tpu.memory_space<vmem>>, vector<16xi32>,
      %shift_right_logical3A_327 = arith.constant 7 : i32
      %shift_right_logical3A_328 = vector.broadcast %shift_right_logical3A_327 : i32 to vector<16xi32>
      %shift_right_logical3A_329 = arith.shrui %get3A_326, %shift_right_logical3A_328 : vector<16xi32>
      %and3A_330 = arith.constant 127 : i32
      %and3A_331 = vector.broadcast %and3A_330 : i32 to vector<16xi32>
      %and3A_332 = arith.andi %get3A_326, %and3A_331 : vector<16xi32>
      tpu.vector_store_idx %arg11[%shift_right_logical3A_329, %and3A_332], %broadcast_in_dim3A_103 {add = true} : memref<80x128xf32, #tpu.memory_space<vmem>>[vector<16xi32>, vector<16xi32>], vector<16xf32>,
    }
    %scan3A_108 = arith.constant 160 : i32
    %dma_wait3A_109 = arith.constant 0 : i32
    %dma_wait3A_110 = arith.constant 0 : i32
    %dma_wait3A_111 = arith.constant 0 : i32
    %dma_wait3A_112 = arith.constant 0 : i32
    %dma_wait3A_113 = tpu.memref_slice %arg10[%dma_wait3A_109, %dma_wait3A_111, %dma_wait3A_112] : memref<3x128x128xbf16, #tpu.memory_space<vmem>> -> memref<1x128x128xbf16, #tpu.memory_space<vmem>>
    %dma_wait3A_114 = tpu.memref_squeeze %dma_wait3A_113 : memref<1x128x128xbf16, #tpu.memory_space<vmem>> -> memref<128x128xbf16, #tpu.memory_space<vmem>>
    %dma_wait3A_115 = arith.constant 0 : i32
    %dma_wait3A_116 = tpu.memref_slice %arg9[%dma_wait3A_110, %dma_wait3A_115] : memref<48x128xi32, #tpu.memory_space<vmem>> -> memref<1x128xi32, #tpu.memory_space<vmem>>
    %dma_wait3A_117 = tpu.memref_squeeze %dma_wait3A_116 : memref<1x128xi32, #tpu.memory_space<vmem>> -> memref<128xi32, #tpu.memory_space<vmem>>
    %dma_wait3A_118 = arith.constant 0 : i32
    %dma_wait3A_119 = arith.constant 0 : i32
    %dma_wait3A_120 = tpu.memref_slice %arg14[%dma_wait3A_118, %dma_wait3A_119] : memref<10240x128xbf16, #tpu.memory_space<vmem_shared>> -> memref<10240x128xbf16, #tpu.memory_space<vmem_shared>>
    tpu.wait_indirect_dma semaphore(%arg17 : memref<!tpu.dma_semaphore, #tpu.memory_space<semaphore_mem>>) src(%dma_wait3A_114 : memref<128x128xbf16, #tpu.memory_space<vmem>>) dst(%dma_wait3A_120 : memref<10240x128xbf16, #tpu.memory_space<vmem_shared>>)
    %dma_wait3A_121 = arith.constant 0 : i32
    %dma_wait3A_122 = arith.constant 0 : i32
    %dma_wait3A_123 = arith.constant 0 : i32
    %dma_wait3A_124 = arith.constant 0 : i32
    %dma_wait3A_125 = tpu.memref_slice %arg10[%dma_wait3A_121, %dma_wait3A_123, %dma_wait3A_124] : memref<3x128x128xbf16, #tpu.memory_space<vmem>> -> memref<1x128x128xbf16, #tpu.memory_space<vmem>>
    %dma_wait3A_126 = tpu.memref_squeeze %dma_wait3A_125 : memref<1x128x128xbf16, #tpu.memory_space<vmem>> -> memref<128x128xbf16, #tpu.memory_space<vmem>>
    %dma_wait3A_127 = arith.constant 0 : i32
    %dma_wait3A_128 = tpu.memref_slice %arg9[%dma_wait3A_122, %dma_wait3A_127] : memref<48x128xi32, #tpu.memory_space<vmem>> -> memref<1x128xi32, #tpu.memory_space<vmem>>
    %dma_wait3A_129 = tpu.memref_squeeze %dma_wait3A_128 : memref<1x128xi32, #tpu.memory_space<vmem>> -> memref<128xi32, #tpu.memory_space<vmem>>
    %dma_wait3A_130 = arith.constant 0 : i32
    %dma_wait3A_131 = arith.constant 0 : i32
    %dma_wait3A_132 = tpu.memref_slice %arg14[%dma_wait3A_130, %dma_wait3A_131] : memref<10240x128xbf16, #tpu.memory_space<vmem_shared>> -> memref<10240x128xbf16, #tpu.memory_space<vmem_shared>>
    tpu.wait_indirect_dma semaphore(%arg17 : memref<!tpu.dma_semaphore, #tpu.memory_space<semaphore_mem>>) src(%dma_wait3A_126 : memref<128x128xbf16, #tpu.memory_space<vmem>>) dst(%dma_wait3A_132 : memref<10240x128xbf16, #tpu.memory_space<vmem_shared>>)
    "tpu.region"() ({
      %run_scoped3A = tpu.sem_alloc : memref<!tpu.dma_semaphore, #tpu.memory_space<semaphore_mem>>
      %dma_start3A_139 = arith.constant 0 : i32
      %dma_start3A_140 = arith.constant 0 : i32
      %dma_start3A_141 = tpu.memref_slice %arg15[%dma_start3A_139, %dma_start3A_140] : memref<80x128xf32, #tpu.memory_space<vmem_shared>> -> memref<80x128xf32, #tpu.memory_space<vmem_shared>>
      tpu.enqueue_indirect_dma source(%arg11 : memref<80x128xf32, #tpu.memory_space<vmem>>) target(%dma_start3A_141 : memref<80x128xf32, #tpu.memory_space<vmem_shared>>) offsets(%arg12 : memref<80xi32, #tpu.memory_space<vmem>>) semaphore(%run_scoped3A : memref<!tpu.dma_semaphore, #tpu.memory_space<semaphore_mem>>) {add = true}
      %dma_wait3A_142 = arith.constant 0 : i32
      %dma_wait3A_143 = arith.constant 0 : i32
      %dma_wait3A_144 = tpu.memref_slice %arg15[%dma_wait3A_142, %dma_wait3A_143] : memref<80x128xf32, #tpu.memory_space<vmem_shared>> -> memref<80x128xf32, #tpu.memory_space<vmem_shared>>
      tpu.wait_indirect_dma semaphore(%run_scoped3A : memref<!tpu.dma_semaphore, #tpu.memory_space<semaphore_mem>>) src(%arg11 : memref<80x128xf32, #tpu.memory_space<vmem>>) dst(%dma_wait3A_144 : memref<80x128xf32, #tpu.memory_space<vmem_shared>>)
      tpu.yield
    }) : () -> ()
    %barrier3A_133 = arith.constant 0 : index
    tpu.barrier barrier_id(%barrier3A_133)
    "tpu.region"() ({
      %run_scoped3A = tpu.sem_alloc : memref<!tpu.dma_semaphore, #tpu.memory_space<semaphore_mem>>
      %dma_start3A_139 = arith.constant 0 : i32
      %dma_start3A_140 = tpu.memref_slice %arg6[%arg0, %mul3A_0, %dma_start3A_139] : memref<2x10240x128xbf16, #tpu.memory_space<hbm>> -> memref<1x640x128xbf16, #tpu.memory_space<hbm>>
      %dma_start3A_141 = tpu.memref_squeeze %dma_start3A_140 : memref<1x640x128xbf16, #tpu.memory_space<hbm>> -> memref<640x128xbf16, #tpu.memory_space<hbm>>
      %dma_start3A_142 = arith.constant 0 : i32
      %dma_start3A_143 = tpu.memref_slice %arg14[%mul3A_0, %dma_start3A_142] : memref<10240x128xbf16, #tpu.memory_space<vmem_shared>> -> memref<640x128xbf16, #tpu.memory_space<vmem_shared>>
      tpu.enqueue_dma source(%dma_start3A_143 : memref<640x128xbf16, #tpu.memory_space<vmem_shared>>) target(%dma_start3A_141 : memref<640x128xbf16, #tpu.memory_space<hbm>>) target_semaphore(%run_scoped3A : memref<!tpu.dma_semaphore, #tpu.memory_space<semaphore_mem>>)
      %dma_wait3A_144 = arith.constant 0 : i32
      %dma_wait3A_145 = tpu.memref_slice %arg6[%arg0, %mul3A_0, %dma_wait3A_144] : memref<2x10240x128xbf16, #tpu.memory_space<hbm>> -> memref<1x640x128xbf16, #tpu.memory_space<hbm>>
      %dma_wait3A_146 = tpu.memref_squeeze %dma_wait3A_145 : memref<1x640x128xbf16, #tpu.memory_space<hbm>> -> memref<640x128xbf16, #tpu.memory_space<hbm>>
      %dma_wait3A_147 = arith.constant 0 : i32
      %dma_wait3A_148 = tpu.memref_slice %arg14[%mul3A_0, %dma_wait3A_147] : memref<10240x128xbf16, #tpu.memory_space<vmem_shared>> -> memref<640x128xbf16, #tpu.memory_space<vmem_shared>>
      tpu.wait_dma2 semaphore(%run_scoped3A : memref<!tpu.dma_semaphore, #tpu.memory_space<semaphore_mem>>) src(%dma_wait3A_148 : memref<640x128xbf16, #tpu.memory_space<vmem_shared>>) dst(%dma_wait3A_146 : memref<640x128xbf16, #tpu.memory_space<hbm>>)
      tpu.yield
    }) : () -> ()
    %eq3A_134 = arith.constant 0 : i32
    %eq3A_135 = arith.cmpi eq, %arg1, %eq3A_134 : i32
    %convert_element_type3A_136 = arith.extui %eq3A_135 : i1 to i32
    %cond3A_137 = arith.constant 0 : i32
    %cond3A_138 = arith.cmpi ne, %convert_element_type3A_136, %cond3A_137 : i32
    scf.if %cond3A_138 {
      "tpu.region"() ({
        %run_scoped3A = tpu.sem_alloc : memref<!tpu.dma_semaphore, #tpu.memory_space<semaphore_mem>>
        %dma_start3A_139 = arith.constant 0 : i32
        %dma_start3A_140 = arith.constant 0 : i32
        %dma_start3A_141 = tpu.memref_slice %arg7[%arg0, %dma_start3A_139, %dma_start3A_140] : memref<2x80x128xf32, #tpu.memory_space<hbm>> -> memref<1x80x128xf32, #tpu.memory_space<hbm>>
        %dma_start3A_142 = tpu.memref_squeeze %dma_start3A_141 : memref<1x80x128xf32, #tpu.memory_space<hbm>> -> memref<80x128xf32, #tpu.memory_space<hbm>>
        tpu.enqueue_dma source(%arg15 : memref<80x128xf32, #tpu.memory_space<vmem_shared>>) target(%dma_start3A_142 : memref<80x128xf32, #tpu.memory_space<hbm>>) target_semaphore(%run_scoped3A : memref<!tpu.dma_semaphore, #tpu.memory_space<semaphore_mem>>)
        %dma_wait3A_143 = arith.constant 0 : i32
        %dma_wait3A_144 = arith.constant 0 : i32
        %dma_wait3A_145 = tpu.memref_slice %arg7[%arg0, %dma_wait3A_143, %dma_wait3A_144] : memref<2x80x128xf32, #tpu.memory_space<hbm>> -> memref<1x80x128xf32, #tpu.memory_space<hbm>>
        %dma_wait3A_146 = tpu.memref_squeeze %dma_wait3A_145 : memref<1x80x128xf32, #tpu.memory_space<hbm>> -> memref<80x128xf32, #tpu.memory_space<hbm>>
        tpu.wait_dma2 semaphore(%run_scoped3A : memref<!tpu.dma_semaphore, #tpu.memory_space<semaphore_mem>>) src(%arg15 : memref<80x128xf32, #tpu.memory_space<vmem_shared>>) dst(%dma_wait3A_146 : memref<80x128xf32, #tpu.memory_space<hbm>>)
        tpu.yield
      }) : () -> ()
    } else {
    }
    return
  }
}

module attributes {stable_mosaic.version = 14 : i64} {
  func.func @body(%arg0: i32, %arg1: memref<1000x128xbf16, #tpu.memory_space<vmem>>, %arg2: memref<1x1000x128xbf16, #tpu.memory_space<vmem>>, %arg3: memref<1x1000x128xbf16, #tpu.memory_space<vmem>>, %arg4: memref<1000x1xf32, #tpu.memory_space<vmem>>, %arg5: memref<1000x1xf32, #tpu.memory_space<vmem>>, %arg6: memref<384x128xbf16, #tpu.memory_space<vmem>>, %arg7: memref<1x128xf32, #tpu.memory_space<vmem>>, %arg8: memref<1000x128xf32, #tpu.memory_space<vmem>>) attributes {dimension_semantics = [#tpu.dimension_semantics<arbitrary>], iteration_bounds = array<i64: 10>, scalar_prefetch = 0 : i64, scratch_operands = 0 : i64, tpu.core_type = #tpu.core_type<tc>, window_params = [{transform_indices = @transform_0, window_bounds = array<i64: 1000, 128>}, {transform_indices = @transform_1, window_bounds = array<i64: 1, 1000, 128>}, {transform_indices = @transform_2, window_bounds = array<i64: 1, 1000, 128>}, {transform_indices = @transform_3, window_bounds = array<i64: 1000, 1>}, {transform_indices = @transform_4, window_bounds = array<i64: 1000, 1>}, {pipeline_mode = #tpu.pipeline_mode<synchronous>, transform_indices = @transform_5, window_bounds = array<i64: 384, 128>}, {pipeline_mode = #tpu.pipeline_mode<synchronous>, transform_indices = @transform_6, window_bounds = array<i64: 1, 128>}, {transform_indices = @transform_7, window_bounds = array<i64: 1000, 128>}]} {
    %get3A = arith.constant 0 : index
    %get3A_0 = arith.constant 0 : index
    %get3A_1 = vector.load %arg1[%get3A, %get3A_0] : memref<1000x128xbf16, #tpu.memory_space<vmem>>, vector<1000x128xbf16>
    %get3A_2 = arith.constant 0 : index
    %get3A_3 = arith.constant 0 : index
    %get3A_4 = vector.load %arg4[%get3A_2, %get3A_3] : memref<1000x1xf32, #tpu.memory_space<vmem>>, vector<1000x1xf32>
    %max3A = arith.constant 1.000000e+00 : f32
    %max3A_5 = vector.broadcast %max3A : f32 to vector<1000x1xf32>
    %max3A_6 = arith.maximumf %get3A_4, %max3A_5 : vector<1000x1xf32>
    %div3A = arith.constant 1.000000e+00 : f32
    %div3A_7 = vector.broadcast %div3A : f32 to vector<1000x1xf32>
    %div3A_8 = arith.divf %div3A_7, %max3A_6 : vector<1000x1xf32>
    %get3A_9 = arith.constant 0 : index
    %get3A_10 = arith.constant 0 : index
    %get3A_11 = vector.load %arg5[%get3A_9, %get3A_10] : memref<1000x1xf32, #tpu.memory_space<vmem>>, vector<1000x1xf32>
    %max3A_12 = arith.constant 1.000000e+00 : f32
    %max3A_13 = vector.broadcast %max3A_12 : f32 to vector<1000x1xf32>
    %max3A_14 = arith.maximumf %get3A_11, %max3A_13 : vector<1000x1xf32>
    %div3A_15 = arith.constant 1.000000e+00 : f32
    %div3A_16 = vector.broadcast %div3A_15 : f32 to vector<1000x1xf32>
    %div3A_17 = arith.divf %div3A_16, %max3A_14 : vector<1000x1xf32>
    %get3A_18 = arith.constant 0 : index
    %get3A_19 = arith.constant 0 : index
    %get3A_20 = vector.load %arg6[%get3A_18, %get3A_19] : memref<384x128xbf16, #tpu.memory_space<vmem>>, vector<384x128xbf16>
    %slice3A = vector.extract_strided_slice %get3A_20 {offsets = [0, 0], sizes = [128, 128], strides = [1, 1]} : vector<384x128xbf16> to vector<128x128xbf16>
    %dot_general3A = arith.constant dense<0.000000e+00> : vector<1000x128xf32>
    %dot_general3A_21 = tpu.matmul %get3A_1, %slice3A, %dot_general3A {dimension_numbers = #tpu.dot_dimension_numbers<[1], [0], [0], [1], [0, 0, 1, 1], [], []>, transpose_lhs_hint = false} : vector<1000x128xbf16>, vector<128x128xbf16>, vector<1000x128xf32> -> vector<1000x128xf32>
    %get3A_22 = arith.constant 0 : index
    %get3A_23 = arith.constant 0 : index
    %get3A_24 = arith.constant 0 : index
    %get3A_25 = vector.load %arg2[%get3A_22, %get3A_23, %get3A_24] : memref<1x1000x128xbf16, #tpu.memory_space<vmem>>, vector<1x1000x128xbf16>
    %get3A_26 = vector.shape_cast %get3A_25 : vector<1x1000x128xbf16> to vector<1000x128xbf16>
    %slice3A_27 = vector.extract_strided_slice %get3A_20 {offsets = [128, 0], sizes = [128, 128], strides = [1, 1]} : vector<384x128xbf16> to vector<128x128xbf16>
    %dot_general3A_28 = arith.constant dense<0.000000e+00> : vector<1000x128xf32>
    %dot_general3A_29 = tpu.matmul %get3A_26, %slice3A_27, %dot_general3A_28 {dimension_numbers = #tpu.dot_dimension_numbers<[1], [0], [0], [1], [0, 0, 1, 1], [], []>, transpose_lhs_hint = false} : vector<1000x128xbf16>, vector<128x128xbf16>, vector<1000x128xf32> -> vector<1000x128xf32>
    %mul3A = vector.broadcast %div3A_8 : vector<1000x1xf32> to vector<1000x128xf32>
    %mul3A_30 = arith.mulf %mul3A, %dot_general3A_29 : vector<1000x128xf32>
    %add3A = arith.addf %dot_general3A_21, %mul3A_30 : vector<1000x128xf32>
    %get3A_31 = arith.constant 0 : index
    %get3A_32 = arith.constant 0 : index
    %get3A_33 = arith.constant 0 : index
    %get3A_34 = vector.load %arg3[%get3A_31, %get3A_32, %get3A_33] : memref<1x1000x128xbf16, #tpu.memory_space<vmem>>, vector<1x1000x128xbf16>
    %get3A_35 = vector.shape_cast %get3A_34 : vector<1x1000x128xbf16> to vector<1000x128xbf16>
    %slice3A_36 = vector.extract_strided_slice %get3A_20 {offsets = [256, 0], sizes = [128, 128], strides = [1, 1]} : vector<384x128xbf16> to vector<128x128xbf16>
    %dot_general3A_37 = arith.constant dense<0.000000e+00> : vector<1000x128xf32>
    %dot_general3A_38 = tpu.matmul %get3A_35, %slice3A_36, %dot_general3A_37 {dimension_numbers = #tpu.dot_dimension_numbers<[1], [0], [0], [1], [0, 0, 1, 1], [], []>, transpose_lhs_hint = false} : vector<1000x128xbf16>, vector<128x128xbf16>, vector<1000x128xf32> -> vector<1000x128xf32>
    %mul3A_39 = vector.broadcast %div3A_17 : vector<1000x1xf32> to vector<1000x128xf32>
    %mul3A_40 = arith.mulf %mul3A_39, %dot_general3A_38 : vector<1000x128xf32>
    %add3A_41 = arith.addf %add3A, %mul3A_40 : vector<1000x128xf32>
    %get3A_42 = arith.constant 0 : index
    %get3A_43 = arith.constant 0 : index
    %get3A_44 = vector.load %arg7[%get3A_42, %get3A_43] : memref<1x128xf32, #tpu.memory_space<vmem>>, vector<1x128xf32>
    %add3A_45 = vector.broadcast %get3A_44 : vector<1x128xf32> to vector<1000x128xf32>
    %add3A_46 = arith.addf %add3A_41, %add3A_45 : vector<1000x128xf32>
    %max3A_47 = arith.constant 0.000000e+00 : f32
    %max3A_48 = vector.broadcast %max3A_47 : f32 to vector<1000x128xf32>
    %max3A_49 = arith.maximumf %add3A_46, %max3A_48 : vector<1000x128xf32>
    %swap3A = arith.constant 0 : index
    %swap3A_50 = arith.constant 0 : index
    %swap3A_51 = vector.load %arg8[%swap3A, %swap3A_50] : memref<1000x128xf32, #tpu.memory_space<vmem>>, vector<1000x128xf32>
    tpu.vector_store %arg8[%swap3A, %swap3A_50], %max3A_49 {strides = array<i32>} : memref<1000x128xf32, #tpu.memory_space<vmem>>, vector<1000x128xf32>,
    return
  }
  func.func @transform_0(%arg0: i32) -> (i32, i32) {
    %c0_i32 = arith.constant 0 : i32
    %c0_i32_0 = arith.constant 0 : i32
    return %arg0, %c0_i32 : i32, i32
  }
  func.func @transform_1(%arg0: i32) -> (i32, i32, i32) {
    %c0_i32 = arith.constant 0 : i32
    %c0_i32_0 = arith.constant 0 : i32
    %c0_i32_1 = arith.constant 0 : i32
    return %c0_i32, %arg0, %c0_i32_0 : i32, i32, i32
  }
  func.func @transform_2(%arg0: i32) -> (i32, i32, i32) {
    %c1_i32 = arith.constant 1 : i32
    %c0_i32 = arith.constant 0 : i32
    %c0_i32_0 = arith.constant 0 : i32
    return %c1_i32, %arg0, %c0_i32 : i32, i32, i32
  }
  func.func @transform_3(%arg0: i32) -> (i32, i32) {
    %c0_i32 = arith.constant 0 : i32
    %c0_i32_0 = arith.constant 0 : i32
    return %arg0, %c0_i32 : i32, i32
  }
  func.func @transform_4(%arg0: i32) -> (i32, i32) {
    %add3A = arith.constant 10 : i32
    %add3A_0 = arith.addi %add3A, %arg0 : i32
    %c0_i32 = arith.constant 0 : i32
    %c0_i32_1 = arith.constant 0 : i32
    return %add3A_0, %c0_i32 : i32, i32
  }
  func.func @transform_5(%arg0: i32) -> (i32, i32) {
    %c0_i32 = arith.constant 0 : i32
    %c0_i32_0 = arith.constant 0 : i32
    %c0_i32_1 = arith.constant 0 : i32
    return %c0_i32, %c0_i32_0 : i32, i32
  }
  func.func @transform_6(%arg0: i32) -> (i32, i32) {
    %c0_i32 = arith.constant 0 : i32
    %c0_i32_0 = arith.constant 0 : i32
    %c0_i32_1 = arith.constant 0 : i32
    return %c0_i32, %c0_i32_0 : i32, i32
  }
  func.func @transform_7(%arg0: i32) -> (i32, i32) {
    %c0_i32 = arith.constant 0 : i32
    %c0_i32_0 = arith.constant 0 : i32
    return %arg0, %c0_i32 : i32, i32
  }
}

</mosaic_0001>

<sc_bundles>
// kernel: kernel.4.cloned.1.call-start
scs
__scs_entry_jumppad:
0x0: {  	(pc) =	sbr.rel $0x88, $3  }
0x1: {  	(tag) =	ssettag $0x0;
	lr =	simm.s32 $0x1  }
0x2: {  	[smem:$0x3F9D] =	sst lr;
	_ =	strace $0xD0000000  }
0x3: {  	_ = 	snop  }
0x4: {  	_ = 	snop  }
0x5: {  	_ = 	snop  }
0x6: {  	_ = 	snop  }
0x7: {  	_ = 	snop  }
__scs_overlays_trampoline_lowered:
0x8: {  	[smem:$0x3FAC] =	sst s0  }
0x9: {  	[smem:$0x3FAD] =	sst s1  }
0xa: {  	[smem:$0x3FAE] =	sst s2  }
0xb: {  	[smem:$0x3FAF] =	sst s3  }
0xc: {  	[smem:$0x3FB0] =	sst s4  }
0xd: {  	[smem:$0x3FB1] =	sst s5  }
0xe: {  	[smem:$0x3FB2] =	sst s6  }
0xf: {  	[smem:$0x3FB3] =	sst s7  }
0x10: {  	[smem:$0x3FB4] =	sst s8  }
0x11: {  	[smem:$0x3FB5] =	sst s9;
	s0 =	simm.s32 @!p0 $0x0  }
0x12: {  	s1 =	sld [smem:$0x3F9B];
	s0 =	simm.s32 @p0 $0x1  }
0x13: {  	[smem:$0x3FB6] =	sst s0;
	s0 =	simm.s32 @!p1 $0x0  }
0x14: {  	s2 =	sld [smem:$0x3F9A];
	s0 =	simm.s32 @p1 $0x1  }
0x15: {  	[smem:$0x3FB7] =	sst s0;
	s0 =	simm.s32 @!p2 $0x0  }
0x16: {  	s3 =	sld [smem:$0x3FDB];
	s0 =	simm.s32 @p2 $0x1  }
0x17: {  	s4 =	simm.s32 $0x1BF5;
	[smem:$0x3FB9] =	sst s0  }
0x18: {  	s0 =	sld [smem:$0x3F9C];
	_ =	swait.ge [sflag:s4], $0x0  }
0x19: {  	s7 =	sld [smem:$0x3F9D]  }
0x1a: {  	s8 =	sadd.s32 $0xFFFFE003, lr  }
0x1b: {  	s9 =	sadd.s32 $0xFFFFFEF7, lr;
	s5 =	simm.s32 $0xFFFFFFFF;
	p2 =	slt.u32 s8, $0xFFFFF086  }
0x1c: {  	p1 =	slt.u32 s9, $0xF7A;
	s5 =	simm.s32 @!p2 $0x0  }
0x1d: {  	s5 =	simm.s32 @p1 $0x1;
	p0 =	seq.s32 s7, s2  }
0x1e: {  	s7 =	smul.u32 @!p0 $0xF7A, s2;
	p2 =	seq.s32 @!p0 s5, $0x0  }
0x1f: {  	s9 =	smul.u32 $0xF7A, s1;
	s8 =	simm.s32 @!p0 $0x1BF5;
	p2 =	por !p2, p0  }
0x20: {  	[sflag:s8] =	ssyncset.s32 @!p0 $0xFFFFF086;
	s6 =	sadd.s32 @!p0 s3, s7;
	s7 =	simm.s32 @!p0 $0x108  }
0x21: {  	s3 =	sadd.s32 s3, s9;
	s6 =	sadd.s32 @!p0 $0x88, s6;
	s7 =	simm.s32 @p2 $0x1082  }
0x22: {  	[simem:s7], [sflag:s8] =	dma.local @!p0 [hbm:s6], $0xF7A  }
0x23: {  	s9 =	sor.u32 $0xD0000000, s2;
	s6 =	simm.s32 $0x108;
	_ =	swait.ge @!p0 [sflag:s8], $0x0  }
0x24: {  	s3 =	sadd.s32 $0x88, s3;
	s6 =	simm.s32 @!p1 $0x1082;
	[sflag:s4] =	ssyncset.s32 $0xFFFFF086  }
0x25: {  	[simem:s6], [sflag:s4] =	dma.local [hbm:s3], $0xF7A  }
0x26: {  	[smem:$0x3F9D] =	sst s1;
	(tag) =	ssettag s2;
	_ =	strace s9  }
0x27: {  	s1 =	sld [smem:$0x3FAD]  }
0x28: {  	s2 =	sld [smem:$0x3FAE]  }
0x29: {  	s4 =	sld [smem:$0x3FB0]  }
0x2a: {  	p0 =	seq.s32 s5, $0x0;
	s5 =	sld [smem:$0x3FB1]  }
0x2b: {  	s6 =	sld [smem:$0x3FB2]  }
0x2c: {  	s7 =	sld [smem:$0x3FB3]  }
0x2d: {  	s3 =	simm.s32 $0x108;
	s8 =	sld [smem:$0x3FB4]  }
0x2e: {  	s3 =	simm.s32 @!p0 $0x1082;
	s9 =	sld [smem:$0x3FB5]  }
0x2f: {  	lr =	sadd.s32 s0, s3;
	s0 =	sld [smem:$0x3FAC]  }
0x30: {  	s3 =	sld [smem:$0x3FAF]  }
0x31: {  	[smem:$0x3FB8] =	sst s10  }
0x32: {  	s10 =	sld [smem:$0x3FB6];
	_ =	sdelay $0x3  }
0x33: {  	p0 =	seq.s32 s10, $0x1;
	s10 =	sld [smem:$0x3FB8];
	_ =	sdelay $0x3  }
0x34: {  	[smem:$0x3FB8] =	sst s10  }
0x35: {  	s10 =	sld [smem:$0x3FB7];
	_ =	sdelay $0x3  }
0x36: {  	p1 =	seq.s32 s10, $0x1;
	s10 =	sld [smem:$0x3FB8];
	_ =	sdelay $0x3  }
0x37: {  	[smem:$0x3FB8] =	sst s10  }
0x38: {  	s10 =	sld [smem:$0x3FB9]  }
0x39: {  	_ = 	snop;
	(pc) =	sbr.ind lr, $3  }
0x3a: {  	_ = 	snop  }
0x3b: {  	_ = 	snop  }
0x3c: {  	p2 =	seq.s32 s10, $0x1;
	s10 =	sld [smem:$0x3FB8]  }
0x3d: {  	_ =	shalt  }
0x3e: {  	_ =	shalt  }
0x3f: {  	_ =	shalt  }
0x40: {  	_ =	shalt  }
0x41: {  	_ =	shalt  }
0x42: {  	_ =	shalt  }
0x43: {  	_ =	shalt  }
0x44: {  	_ =	shalt  }
0x45: {  	_ =	shalt  }
0x46: {  	_ =	shalt  }
0x47: {  	_ =	shalt  }
0x48: {  	_ =	shalt  }
0x49: {  	_ =	shalt  }
0x4a: {  	_ =	shalt  }
0x4b: {  	_ =	shalt  }
0x4c: {  	_ =	shalt  }
0x4d: {  	_ =	shalt  }
0x4e: {  	_ =	shalt  }
0x4f: {  	_ =	shalt  }
0x50: {  	_ =	shalt  }
0x51: {  	_ =	shalt  }
0x52: {  	_ =	shalt  }
0x53: {  	_ =	shalt  }
0x54: {  	_ =	shalt  }
0x55: {  	_ =	shalt  }
0x56: {  	_ =	shalt  }
0x57: {  	_ =	shalt  }
0x58: {  	_ =	shalt  }
0x59: {  	_ =	shalt  }
0x5a: {  	_ =	shalt  }
0x5b: {  	_ =	shalt  }
0x5c: {  	_ =	shalt  }
0x5d: {  	_ =	shalt  }
0x5e: {  	_ =	shalt  }
0x5f: {  	_ =	shalt  }
0x60: {  	_ =	shalt  }
0x61: {  	_ =	shalt  }
0x62: {  	_ =	shalt  }
0x63: {  	_ =	shalt  }
0x64: {  	_ =	shalt  }
0x65: {  	_ =	shalt  }
0x66: {  	_ =	shalt  }
0x67: {  	_ =	shalt  }
0x68: {  	_ =	shalt  }
0x69: {  	_ =	shalt  }
0x6a: {  	_ =	shalt  }
0x6b: {  	_ =	shalt  }
0x6c: {  	_ =	shalt  }
0x6d: {  	_ =	shalt  }
0x6e: {  	_ =	shalt  }
0x6f: {  	_ =	shalt  }
0x70: {  	_ =	shalt  }
0x71: {  	_ =	shalt  }
0x72: {  	_ =	shalt  }
0x73: {  	_ =	shalt  }
0x74: {  	_ =	shalt  }
0x75: {  	_ =	shalt  }
0x76: {  	_ =	shalt  }
0x77: {  	_ =	shalt  }
0x78: {  	_ =	shalt  }
0x79: {  	_ =	shalt  }
0x7a: {  	_ =	shalt  }
0x7b: {  	_ =	shalt  }
0x7c: {  	_ =	shalt  }
0x7d: {  	_ =	shalt  }
0x7e: {  	_ =	shalt  }
0x7f: {  	_ =	shalt  }
0x80: {  	_ =	shalt  }
0x81: {  	_ =	shalt  }
0x82: {  	_ =	shalt  }
0x83: {  	_ =	shalt  }
0x84: {  	_ =	shalt  }
0x85: {  	_ =	shalt  }
0x86: {  	_ =	shalt  }
0x87: {  	_ =	shalt  }
.Lfunc_end0:
.L_simem_size_0:
called_computation_lowered:
.L_overlay_start_0:
0x88: {  	s2 =	sld [smem:$0x3FD9]  }
0x89: {  	s3 =	sld [smem:$0x3FFE];
	_ =	sdelay $0x1  }
0x8a: {  	s1 =	srdreg.scid  }
0x8b: {  	s0 =	sand.u32 $0x1, s1  }
0x8c: {  	s17 =	sshll.u32 s0, $0xA;
	s2 =	sadd.s32 s3, s2  }
0x8d: {  	s2 =	sadd.s32 s2, s17  }
0x8e: {  	[smem:$0x3FC4] =	sst s2  }
0x8f: {  	_ = 	snop  }
0x90: {  	s2 =	sld [smem:$0x3FD0];
	(tm) =	ssettm $0x1  }
0x91: {  	s18 =	sld [smem:$0x3FFB];
	_ =	sdelay $0x3  }
0x92: {  	_ =	strace s18  }
0x93: {  	s3 =	sld [smem:$0x3FFC];
	_ =	sdelay $0x3  }
0x94: {  	_ =	strace s3  }
0x95: {  	s3 =	sld [smem:$0x3FFD];
	_ =	sdelay $0x3  }
0x96: {  	_ =	strace s3  }
0x97: {  	_ =	strace $0x8FFFFFFF  }
0x98: {  	s19 =	sld [smem:$0x3FDB];
	_ =	sdelay $0x1  }
0x99: {  	s4 =	simm.s32 $_scs_section_size  }
0x9a: {  	s5 =	simm.s32 $_size__tile_overlayer_lowered;
	s6 =	simm.s32 $_tile_overlayer_lowered  }
0x9b: {  	s22 =	simm.s32 $0x1BFF;
	s21 =	sshll.u32 s6, $0x1;
	s3 =	sadd.s32 s4, s19  }
0x9c: {  	s7 =	simm.s32 $0x0;
	s20 =	sshll.u32 s5, $0x1;
	s5 =	sadd.s32 s21, s3  }
0x9d: {  	[timem:s7], [sflag:s22] =	dma.local [hbm:s5], s20  }
0x9e: {  	_ =	swait.ge [sflag:s22], s20  }
0x9f: {  	s4 =	ssub.s32 $0x0, s20;
	[sflag:s22] =	ssyncset.done $0x0  }
0xa0: {  	[sflag:s22] =	ssyncadd.s32 s4;
	_ =	sdelay $0x1  }
0xa1: {  	s23 =	simm.s32 $0x1B8B  }
0xa2: {  	_ =	swait.ge [sflag:s23], $0x1  }
0xa3: {  	[sflag:s23] =	ssyncset.done $0x0  }
0xa4: {  	s25 =	simm.s32 $0x1B8E;
	s24 =	sld [smem:$0x3FFE];
	[sflag:s23] =	ssyncadd.s32 $0xFFFFFFFF  }
0xa5: {  	s26 =	simm.s32 $execute0_lowered;
	[smem:$0x3FD2] =	sst s25  }
0xa6: {  	s5 =	sshll.u32 s26, $0x1;
	_ =	strace $0x80000046;
	[dreg:$0x1] =	wrdreg $0xFFFFFFFF  }
0xa7: {  	s28 =	simm.s32 $_size_execute0_lowered;
	s3 =	sadd.s32 s3, s5;
	[dreg:$0x0] =	wrdreg $0x0  }
0xa8: {  	s5 =	sshll.u32 s28, $0x1;
	[dreg:$0x2] =	wrdreg s3  }
0xa9: {  	[dreg:$0x3] =	wrdreg s5  }
0xaa: {  	[dreg:$0x4] =	wrdreg $0xC0  }
0xab: {  	_ =	task [dreg:s7], $0x5FFFF  }
0xac: {  	[dreg:$0x1] =	wrdreg $0xFFFFFFFF  }
0xad: {  	[dreg:$0x0] =	wrdreg $0x60  }
0xae: {  	[dreg:$0x2] =	wrdreg s24  }
0xaf: {  	[dreg:$0x3] =	wrdreg s2  }
0xb0: {  	[dreg:$0x4] =	wrdreg $0xB8500  }
0xb1: {  	[dreg:$0x5] =	wrdreg $0x154D00  }
0xb2: {  	[dreg:$0x6] =	wrdreg $0x1F4D00  }
0xb3: {  	[dreg:$0x7] =	wrdreg $0x9  }
0xb4: {  	_ =	task.clear_ibuf [dreg:s7], $0x8FFFF;
	_ =	strace $0x90000046  }
0xb5: {  	s29 =	simm.s32 $0x9;
	_ =	strace $0x80000048  }
0xb6: {  	_ =	swait.ge [sflag:s29], $0x1  }
0xb7: {  	[sflag:s29] =	ssyncadd.s32 $0xFFFFFFFF  }
0xb8: {  	_ =	strace $0x90000048  }
0xb9: {  	_ =	sfence  }
0xba: {  	s30 =	sld [smem:$0x0];
	_ =	sdelay $0x2  }
0xbb: {  	s31 =	sshll.u32 s1, $0xD;
	s1 =	sshrl.u32 s1, $0x2  }
0xbc: {  	s3 =	sand.u32 $0x4000, s31;
	s1 =	sadd.s32 s1, s30  }
0xbd: {  	s0 =	sor.u32 s3, s0;
	s1 =	sshll.u32 s1, $0x11  }
0xbe: {  	s0 =	sor.u32 s1, s0  }
0xbf: {  	s0 =	sadd.s32 $0x8F2B, s0  }
0xc0: {  	[sflag:s0] =	ssyncadd.remote.s32 $0x1  }
0xc1: {  	_ =	sfence.sel $0xFFFF  }
0xc2: {  	[dreg:$0x0] =	wrdreg $0xFFFFFFFF;
	(pc) =	sbr.abs _section_cstart, $3  }
0xc3: {  	[dreg:$0x1] =	wrdreg $0xFFFFFFFF  }
0xc4: {  	_ =	task.clear_ibuf [dreg:s7], $0x2FFFF;
	_ =	strace $0x9FFFFFFF  }
0xc5: {  	(tm) =	ssettm $0x7FFFFFFF  }
tec
execute0_lowered:
.L_overlay_start_1:
0x0: {  	(tag) =	ssettag $0x1  }
0x1: {  	s3 =	rddreg [dreg:$0x0]  }
0x2: {  	s0 =	rddreg [dreg:$0x1]  }
0x3: {  	s1 =	rddreg [dreg:$0x2]  }
0x4: {  	s2 =	rddreg [dreg:$0x3]  }
0x5: {  	s4 =	stileid.u32;
	s5 =	srdreg.scid  }
0x6: {  	s21 =	rddreg [dreg:$0x4];
	s8 =	smul.u32 $0x13880, s4  }
0x7: {  	s20 =	simm.s32 $0x9000;
	s28 =	simm.s32 $0x2;
	s12 =	smul.u32 $0x14000, s4  }
0x8: {  	s30 =	simm.s32 $0xB800;
	s9 =	sand.u32 $0x1, s5;
	s16 =	smul.u32 $0x5000, s4  }
0x9: {  	s31 =	simm.s32 $0x0;
	s5 =	simm.s32 $0x0;
	s6 =	smul.u32 $0x140000, s9  }
0xa: {  	s26 =	sshll.u32 s4, $0x6;
	p0 =	sne.s32 s4, $0x0;
	s13 =	smul.u32 $0x500, s9  }
0xb: {  	[smem:$0x7FF] =	sst s5;
	s23 =	ssub.s32 $0x2, s9;
	s24 =	smul.u32 $0x50000, s9  }
0xc: {  	s9 =	sxor.u32 $0x1, s9;
	s21 =	sshrl.u32 @!p0 s21, $0x3;
	_ =	strace $0x80000047  }
0xd: {  	s7 =	sshrl.u32 s8, $0x4;
	s15 =	sshrl.u32 s23, $0x1;
	s8 =	sshrl.u32 s8, $0x1  }
0xe: {  	s25 =	smul.u32 $0x50000, s9;
	s9 =	sor.u32 $0x1C04, s26;
	s26 =	simm.s32 $0x1  }
0xf: {  	s6 =	sadd.s32 s12, s6;
	s10 =	sadd.s32 s7, s3;
	s7 =	sadd.s32 $0x15E00, s3  }
0x10: {  	s17 =	ssub.s32 s23, s15;
	s18 =	sadd.s32 s8, s1;
	s12 =	sshrl.u32 s12, $0x1  }
0x11: {  	s23 =	simm.s32 $0x3;
	s11 =	sshrl.u32 s6, $0x4;
	s6 =	sadd.s32 $0x1000, s3  }
0x12: {  	s8 =	sadd.s32 $0x2400, s10;
	s10 =	sadd.s32 s16, s24;
	s19 =	sadd.s32 s12, s2  }
.Ltmp0:
0x13: {  	s24 =	simm.s32 $0x80;
	s14 =	sadd.s32 s11, s3;
	(pc) =	sbr.rel .LBB2_1-.Ltmp0, $4  }
0x14: {  	s3 =	sadd.s32 s13, s3;
	s11 =	sadd.s32 s16, s25;
	s13 =	sshrl.u32 s10, $0x3  }
0x15: {  	v0 =	vlaneseq.u32;
	s16 =	smax.u32 s17, $0x1;
	s17 =	sshrl.u32 s18, $0x3;
	s18 =	simm.s32 $0x4  }
0x16: {  	v5 =	vimm.f32 $1.000000000e+00;
	v1 =	vor.u32 $0x10, v0;
	s19 =	sshrl.u32 s19, $0x3;
	s29 =	sshrl.u32 s11, $0x3;
	s12 =	sadd.s32 s0, s13  }
0x17: {  	v2 =	vor.u32 $0x20, v0;
	v3 =	vor.u32 $0x30, v0;
	v4 =	vor.u32 $0x40, v0;
	s14 =	sadd.s32 $0x16400, s14;
	s15 =	sadd.s32 $0x3E400, s3;
	s13 =	sadd.s32 s0, s29  }
.LBB2_8:
0x18: {  	_ =	swait.ge [sflag:s28], $0x2000  }
0x19: {  	[sflag:s28] =	ssyncset.done $0x0  }
0x1a: {  	[sflag:s28] =	ssyncadd.s32 $0xFFFFE000  }
0x1b: {  	_ =	swait.ge [sflag:s28], $0x2000  }
0x1c: {  	[sflag:s28] =	ssyncset.done $0x0  }
0x1d: {  	[sflag:s28] =	ssyncadd.s32 $0xFFFFE000  }
0x1e: {  	s4 =	simm.s32 $0x50;
	s3 =	rddreg [dreg:$0x4]  }
0x1f: {  	[spmem:s3] =	stream.indirect.scatter.add.f32 [tilespmem:s20], [sflag:$0x4], $0x80, s30, s4, $0xb8;
	[tilespmem:$0x1F750] =	vst v63  }
0x20: {  	_ =	swait.ge [sflag:s18], $0x2800  }
0x21: {  	[sflag:s18] =	ssyncset.done $0x0  }
0x22: {  	[sflag:s18] =	ssyncadd.s32 $0xFFFFD800  }
0x23: {  	[bflag:$0x0] =	sbarrier.arrive $0xFFFF  }
0x24: {  	[hbm:s14], [sflag:s9] =	dma.local [spmem:s19], $0x1400  }
0x25: {  	s31 =	sadd.s32 $0x1, s31;
	_ =	swait.ge [sflag:s18], $0x1400  }
0x26: {  	p1 =	sne.s32 s31, s16;
	[sflag:s18] =	ssyncset.done $0x0  }
.Ltmp1:
0x27: {  	s3 =	simm.s32 @!p0 $0x4;
	[sflag:s18] =	ssyncadd.s32 $0xFFFFEC00;
	(pc) =	sbr.rel @!p1 .LBB2_9-.Ltmp1, $4  }
0x28: {  	[hbm:s15], [sflag:s9] =	dma.local @!p0 [spmem:s21], $0x500  }
0x29: {  	_ =	swait.ge @!p0 [sflag:s3], $0x500  }
0x2a: {  	[sflag:s3] =	ssyncset.done @!p0 $0x0  }
0x2b: {  	[sflag:s3] =	ssyncadd.s32 @!p0 $0xFFFFFB00  }
.LBB2_1:
0x2c: {  	[spmem:s17], [sflag:s9] =	dma.local [hbm:s8], $0x1388  }
0x2d: {  	_ =	swait.ge [sflag:s18], $0x1388  }
0x2e: {  	[sflag:s18] =	ssyncset.done $0x0  }
0x2f: {  	[sflag:s18] =	ssyncadd.s32 $0xFFFFEC78  }
0x30: {  	[spmem:s19], [sflag:s9] =	dma.local [hbm:s6], $0x1400  }
0x31: {  	_ =	swait.ge [sflag:s18], $0x1400  }
0x32: {  	[sflag:s18] =	ssyncset.done $0x0  }
0x33: {  	[sflag:s18] =	ssyncadd.s32 $0xFFFFEC00  }
0x34: {  	[tilespmem:s20], [sflag:$0x4] =	stream.linear.gather [hbm4b:s7+s5], $0x2800, $0x38;
	[tilespmem:$0x1F750] =	vst v63  }
0x35: {  	_ =	swait.ge [sflag:s18], $0x2800  }
0x36: {  	[sflag:s18] =	ssyncset.done $0x0  }
0x37: {  	s3 =	simm.s32 @!p0 $0x4;
	[sflag:s18] =	ssyncadd.s32 $0xFFFFD800  }
0x38: {  	[spmem:s21], [sflag:s9] =	dma.local @!p0 [hbm:s7], $0x500  }
0x39: {  	_ =	swait.ge @!p0 [sflag:s3], $0x500  }
0x3a: {  	[sflag:s3] =	ssyncset.done @!p0 $0x0  }
0x3b: {  	[sflag:s3] =	ssyncadd.s32 @!p0 $0xFFFFFB00  }
0x3c: {  	[tilespmem:$0xB800] =	vst v0  }
0x3d: {  	[tilespmem:$0xB810] =	vst v1  }
0x3e: {  	[tilespmem:$0xB820] =	vst v2  }
0x3f: {  	[tilespmem:$0xB830] =	vst v3  }
0x40: {  	[tilespmem:$0xB840] =	vst v4  }
0x41: {  	[tilespmem:s5], [sflag:$0x3] =	stream.linear.gather [hbm4b:s12+s5], $0x800, $0x38;
	[tilespmem:$0x1F750] =	vst v63  }
0x42: {  	s25 =	simm.s32 $0x1800  }
0x43: {  	[tilespmem:s25], [sflag:$0x3] =	stream.linear.gather [hbm4b:s13+s5], $0x800, $0x38;
	[tilespmem:$0x1F750] =	vst v63  }
0x44: {  	_ =	swait.ge [sflag:s23], $0x800  }
0x45: {  	[sflag:s23] =	ssyncset.done $0x0  }
0x46: {  	[sflag:s23] =	ssyncadd.s32 $0xFFFFF800  }
.Ltmp2:
0x47: {  	_ =	swait.ge [sflag:s23], $0x800;
	(pc) =	sbr.rel .LBB2_2-.Ltmp2, $4  }
0x48: {  	[sflag:s23] =	ssyncset.done $0x0  }
0x49: {  	[sflag:s23] =	ssyncadd.s32 $0xFFFFF800  }
0x4a: {  	s29 =	simm.s32 $0x3000;
	s3 =	simm.s32 $0x0;
	[bflag:$0x0] =	sbarrier.arrive $0xFFFF  }
0x4b: {  	[tilespmem:s29], [sflag:$0x1] =	stream.indirect.gather [spmem:s1], $0x40, s5, s24, $0xb8;
	[tilespmem:$0x1F750] =	vst v63  }
.LBB2_3:
0x4c: {  	s4 =	sshrl.u32 s3, $0x4  }
0x4d: {  	s4 =	sadd.s32 $0x1, s4  }
0x4e: {  	s22 =	smul.u32 $0xAB, s4;
	_ =	sdelay $0x1  }
0x4f: {  	s22 =	sshrl.u32 s22, $0x9  }
0x50: {  	s22 =	sand.u32 $0x7F, s22  }
0x51: {  	s22 =	smul.u32 $0x3, s22  }
0x52: {  	s25 =	sshll.u32 s4, $0xB  }
0x53: {  	s29 =	sadd.s32 s10, s25;
	s4 =	ssub.s32 s4, s22  }
0x54: {  	s29 =	sshrl.u32 s29, $0x3;
	s4 =	sand.u32 $0xFF, s4  }
0x55: {  	s22 =	sadd.s32 s0, s29;
	s29 =	sadd.s32 s11, s25;
	s4 =	sshll.u32 s4, $0xB  }
0x56: {  	[tilespmem:s4], [sflag:$0x3] =	stream.linear.gather [hbm4b:s22+s5], $0x800, $0x38;
	[tilespmem:$0x1F750] =	vst v63  }
0x57: {  	s22 =	sshrl.u32 s29, $0x3  }
0x58: {  	s4 =	sadd.s32 $0x1800, s4;
	s22 =	sadd.s32 s0, s22  }
0x59: {  	[tilespmem:s4], [sflag:$0x3] =	stream.linear.gather [hbm4b:s22+s5], $0x800, $0x38;
	[tilespmem:$0x1F750] =	vst v63  }
0x5a: {  	s4 =	sor.u32 $0x1, s3  }
.LBB2_6:
0x5b: {  	s22 =	smul.u32 $0xAB, s4  }
0x5c: {  	s25 =	sand.u32 $0xF, s4  }
0x5d: {  	p1 =	sne.s32 s25, $0x0;
	s25 =	sshrl.u32 s22, $0x9  }
0x5e: {  	s29 =	simm.s32 @!p1 $0x3;
	s22 =	sshrl.u32 s22, $0xD;
	s25 =	sand.u32 $0x7F, s25  }
0x5f: {  	_ =	swait.ge @!p1 [sflag:s29], $0x800;
	s22 =	sand.u32 $0x7, s22;
	s25 =	smul.u32 $0x3, s25  }
0x60: {  	[sflag:s29] =	ssyncset.done @!p1 $0x0;
	s22 =	smul.u32 $0x30, s22  }
0x61: {  	[sflag:s29] =	ssyncadd.s32 @!p1 $0xFFFFF800;
	s25 =	ssub.s32 s4, s25  }
0x62: {  	_ =	swait.ge @!p1 [sflag:s29], $0x800;
	s22 =	ssub.s32 s4, s22;
	s25 =	sand.u32 $0xFF, s25  }
0x63: {  	[sflag:s29] =	ssyncset.done @!p1 $0x0;
	s22 =	sand.u32 $0xFF, s22;
	s25 =	sshll.u32 s25, $0xD  }
0x64: {  	[sflag:s29] =	ssyncadd.s32 @!p1 $0xFFFFF800;
	s22 =	sshll.u32 s22, $0x7;
	s25 =	sadd.s32 $0x3000, s25  }
0x65: {  	[tilespmem:s25], [sflag:$0x1] =	stream.indirect.gather [spmem:s1], $0x40, s22, s24, $0xb8;
	[tilespmem:$0x1F750] =	vst v63  }
.LBB2_7:
0x66: {  	s22 =	smul.u32 $0xAB, s3;
	_ =	sdelay $0x1  }
0x67: {  	s25 =	sshrl.u32 s22, $0xD  }
0x68: {  	s22 =	sshrl.u32 s22, $0x9;
	s25 =	sand.u32 $0x7, s25  }
0x69: {  	s22 =	sand.u32 $0x7F, s22;
	s25 =	smul.u32 $0x30, s25  }
0x6a: {  	s22 =	smul.u32 $0x3, s22;
	_ =	sdelay $0x1  }
0x6b: {  	s25 =	ssub.s32 s3, s25;
	s22 =	ssub.s32 s3, s22  }
0x6c: {  	s25 =	sand.u32 $0xFF, s25;
	s3 =	sand.u32 $0xFF, s22  }
0x6d: {  	s3 =	sshll.u32 s3, $0xD;
	s22 =	sshll.u32 s25, $0x7  }
0x6e: {  	s3 =	sadd.s32 $0x3000, s3;
	s29 =	sadd.s32 $0x1800, s22  }
0x6f: {  	[spmem:s2] =	stream.indirect.scatter.add.bf16 [tilespmem:s3], [sflag:$0x2], $0x40, s29, s24, $0xb8;
	[tilespmem:$0x1F750] =	vst v63  }
0x70: {  	v6 =	vld [tilespmem:s22+$0x1800];
	_ =	sdelay $0x7  }
0x71: {  	[tilespmem:v6+s20+$0x0] =	vst.idx.add.f32.msk $0xffff, v5  }
0x72: {  	v6 =	vld [tilespmem:s22+$0x1810];
	_ =	sdelay $0x7  }
0x73: {  	[tilespmem:v6+s20+$0x0] =	vst.idx.add.f32.msk $0xffff, v5  }
0x74: {  	v6 =	vld [tilespmem:s22+$0x1820];
	_ =	sdelay $0x7  }
0x75: {  	[tilespmem:v6+s20+$0x0] =	vst.idx.add.f32.msk $0xffff, v5  }
0x76: {  	v6 =	vld [tilespmem:s22+$0x1830];
	_ =	sdelay $0x7  }
0x77: {  	[tilespmem:v6+s20+$0x0] =	vst.idx.add.f32.msk $0xffff, v5  }
0x78: {  	v6 =	vld [tilespmem:s22+$0x1840];
	_ =	sdelay $0x7  }
0x79: {  	[tilespmem:v6+s20+$0x0] =	vst.idx.add.f32.msk $0xffff, v5  }
0x7a: {  	v6 =	vld [tilespmem:s22+$0x1850];
	_ =	sdelay $0x7  }
0x7b: {  	[tilespmem:v6+s20+$0x0] =	vst.idx.add.f32.msk $0xffff, v5  }
0x7c: {  	v6 =	vld [tilespmem:s22+$0x1860];
	_ =	sdelay $0x7  }
0x7d: {  	[tilespmem:v6+s20+$0x0] =	vst.idx.add.f32.msk $0xffff, v5  }
0x7e: {  	v6 =	vld [tilespmem:s22+$0x1870];
	_ =	sdelay $0x2  }
0x7f: {  	p1 =	slt.u32 s4, $0xA0  }
.Ltmp3:
0x80: {  	_ = 	snop;
	(pc) =	sbr.rel @!p1 .LBB2_8-.Ltmp3, $2  }
0x81: {  	_ =	sdelay $0x2  }
0x82: {  	s3 =	smov.u32 s4;
	[tilespmem:v6+s20+$0x0] =	vst.idx.add.f32.msk $0xffff, v5  }
.LBB2_2:
0x83: {  	s22 =	sand.u32 $0xF, s3;
	p2 =	sgt.u32 s3, $0x8F  }
0x84: {  	p3 =	sne.s32 @!p2 s22, $0x0  }
0x85: {  	_ =	swait.ge [sflag:s26], $0x2000;
	p2 =	por p2, p3  }
.Ltmp4:
0x86: {  	p1 =	slt.u32 s3, $0x2;
	[sflag:s26] =	ssyncset.done $0x0;
	(pc) =	sbr.rel @!p2 .LBB2_3-.Ltmp4, $4  }
0x87: {  	s4 =	simm.s32 @!p1 $0x2;
	[sflag:s26] =	ssyncadd.s32 $0xFFFFE000  }
0x88: {  	_ =	swait.ge @!p1 [sflag:s4], $0x2000  }
0x89: {  	[sflag:s4] =	ssyncset.done @!p1 $0x0  }
0x8a: {  	[sflag:s4] =	ssyncadd.s32 @!p1 $0xFFFFE000  }
0x8b: {  	p1 =	seq.s32 s3, $0x9F  }
.Ltmp5:
0x8c: {  	_ = 	snop;
	(pc) =	sbr.rel @p1 .LBB2_7-.Ltmp5, $2  }
0x8d: {  	_ =	sdelay $0x2  }
0x8e: {  	s4 =	simm.s32 $0xA0  }
.Ltmp6:
0x8f: {  	(pc) =	sbr.rel .LBB2_6-.Ltmp6, $2  }
0x90: {  	_ =	sdelay $0x2  }
0x91: {  	s4 =	sadd.s32 $0x1, s3  }
.LBB2_9:
0x92: {  	_ =	sfence.sel $0x180000  }
0x93: {  	[bflag:$0x0] =	sbarrier.arrive $0xFFFF  }
0x94: {  	_ =	strace $0x90000047  }
0x95: {  	[bflag:$0x2] =	sbarrier.arrive $0xFFFF  }
0x96: {  	s0 =	rddreg [dreg:$0x5]  }
0x97: {  	s0 =	sadd.s32 @!p0 $0x100000, s0  }
0x98: {  	[sflag:s0] =	ssyncadd.tile.s32 @!p0 $0x1;
	_ =	shalt  }
.Lfunc_end2:
_tile_overlayer_lowered:
.L_overlay_start_2:
0x99: {  	(tag) =	ssettag $0x2  }
0x9a: {  	s0 =	rddreg [dreg:$0x0];
	s2 =	stileid.u32  }
0x9b: {  	s1 =	rddreg [dreg:$0x1];
	p0 =	sne.s32 s2, $0x0  }
0x9c: {  	s3 =	rddreg [dreg:$0x2];
	[bflag:$0x3] =	sbarrier.arrive $0xFFFF;
	s2 =	simm.s32 @!p0 $0x1C04  }
0x9d: {  	[timem:s3], [sflag:s2] =	dma.local @!p0 [hbm:s0], s1  }
0x9e: {  	s0 =	simm.s32 @!p0 $0x4  }
0x9f: {  	_ =	swait.ge @!p0 [sflag:s0], s1  }
0xa0: {  	s1 =	ssub.s32 @!p0 $0x0, s1;
	[sflag:s0] =	ssyncset.done @!p0 $0x0  }
0xa1: {  	[sflag:s0] =	ssyncadd.s32 @!p0 s1  }
0xa2: {  	[bflag:$0x3] =	sbarrier.arrive $0xFFFF  }
0xa3: {  	_ =	shalt  }

</sc_bundles>
